<compile_context>
chip_gen: v7x
topology: tpu7x:2x2x1
jax: 0.10.2.dev20260603
libtpu: 0.0.44.dev20260713+nightly
codegen_flags: <defaults>
</compile_context>

<pallas_src>
import functools

import jax
import jax.numpy as jnp
from jax import lax
from jax.experimental import pallas as pl
from jax.experimental.pallas import tpu as pltpu
from jax.experimental.pallas import tpu_sc as plsc

_L = 16


@functools.lru_cache(maxsize=None)
def _build(B, D, K):
    NC, NS = 2, 16
    NW = NC * NS
    RPW = B // NW
    CH = 128
    NCHUNK = RPW // CH
    NJ = K // _L

    mesh = plsc.VectorSubcoreMesh(core_axis_name="c", subcore_axis_name="s")

    @functools.partial(
        pl.kernel,
        mesh=mesh,
        compiler_params=pltpu.CompilerParams(needs_layout_passes=False),
        out_type=jax.ShapeDtypeStruct((2 * B * K,), jnp.float32),
        scratch_types=[
            pltpu.VMEM((K,), jnp.int32),
            pltpu.VMEM((CH * D,), jnp.float32),
            pltpu.VMEM((CH * D,), jnp.float32),
            pltpu.VMEM((CH * D,), jnp.float32),
            pltpu.VMEM((CH * D,), jnp.float32),
            pltpu.VMEM((CH * K,), jnp.float32),
            pltpu.VMEM((CH * K,), jnp.float32),
            pltpu.VMEM((CH * K,), jnp.float32),
            pltpu.VMEM((CH * K,), jnp.float32),
            pltpu.SemaphoreType.DMA,
            pltpu.SemaphoreType.DMA,
            pltpu.SemaphoreType.DMA,
            pltpu.SemaphoreType.DMA,
        ],
    )
    def sc_kernel(xc_hbm, xd_hbm, idx_hbm, out_hbm,
                  idx_v, c_v0, c_v1, d_v0, d_v1, l_v0, l_v1, r_v0, r_v1,
                  in_sem0, in_sem1, out_sem0, out_sem1):
        c_v = [c_v0, c_v1]
        d_v = [d_v0, d_v1]
        l_v = [l_v0, l_v1]
        r_v = [r_v0, r_v1]
        in_sem = [in_sem0, in_sem1]
        out_sem = [out_sem0, out_sem1]
        wid = lax.axis_index("s") * NC + lax.axis_index("c")
        base = wid * RPW
        pltpu.sync_copy(idx_hbm, idx_v)
        cols = [idx_v[pl.ds(j * _L, _L)] for j in range(NJ)]

        def start_in(ch, b):
            row0 = base + ch * CH
            cc = pltpu.async_copy(
                xc_hbm.at[pl.ds(row0 * D, CH * D)], c_v[b], in_sem[b])
            dc = pltpu.async_copy(
                xd_hbm.at[pl.ds(row0 * D, CH * D)], d_v[b], in_sem[b])
            return cc, dc

        def start_out(ch, b):
            row0 = base + ch * CH
            lc = pltpu.async_copy(
                l_v[b], out_hbm.at[pl.ds(row0 * K, CH * K)], out_sem[b])
            rc = pltpu.async_copy(
                r_v[b],
                out_hbm.at[pl.ds(B * K + row0 * K, CH * K)], out_sem[b])
            return lc, rc

        def compute(b):
            lb = l_v[b]
            rb = r_v[b]
            cb = c_v[b]
            db = d_v[b]

            @plsc.parallel_loop(0, CH, unroll=4)
            def row_body(r):
                rbase = r * D
                obase = r * K
                for j in range(NJ):
                    idx = cols[j] + rbase
                    gc = plsc.load_gather(cb, [idx])
                    gd = plsc.load_gather(db, [idx])
                    lb[pl.ds(obase + j * _L, _L)] = gc - gd
                    rb[pl.ds(obase + j * _L, _L)] = gc + gd

        in_flight = start_in(0, 0)
        out_flight = [None, None]
        for ch in range(NCHUNK):
            b = ch % 2
            nxt = None
            if ch + 1 < NCHUNK:
                nxt = start_in(ch + 1, 1 - b)
            in_flight[0].wait()
            in_flight[1].wait()
            if out_flight[b] is not None:
                out_flight[b][0].wait()
                out_flight[b][1].wait()
            compute(b)
            out_flight[b] = start_out(ch, b)
            in_flight = nxt
        for b in range(2):
            if out_flight[b] is not None:
                out_flight[b][0].wait()
                out_flight[b][1].wait()

    return sc_kernel


def kernel(x_c, x_delta, target_idx):
    B, D = x_c.shape
    (K,) = target_idx.shape
    sc_kernel = _build(B, D, K)
    out = sc_kernel(
        x_c.reshape(B * D),
        x_delta.reshape(B * D),
        target_idx.astype(jnp.int32),
    )
    return out.reshape(2, B, K)

# --- scband reference (transcript-rebuilt; emitter-appended) ---
"""Pipeline reference for scband-trajectory-27908697489474 (READ-ONLY COPY).

The authoritative reference and input builder live on the scoring server;
editing this copy changes nothing except your own understanding.
"""

import jax, jax.numpy as jnp
import numpy as np

# Faithful JAX translation of Trajectory.forward from the abstract-interpretation
# framework. The original operates on a Box/interval abstract state:
#   x.c     : center tensor      float32[B, D]
#   x.delta : radius tensor      float32[B, D]  (nonnegative)
# forward selects columns target_idx (select_from_index on dim 1), converts the
# selected box to its interval [c - delta, c + delta], and records the per-sample
# lower/upper bounds into trajectories_l / trajectories_r. Here the per-sample
# python-list appending is represented by returning the stacked (left, right)
# interval bounds that would be appended for every sample in the batch.

def setup_inputs(seed: int = 0) -> dict:
    key = jax.random.key(seed)
    k1, k2 = jax.random.split(key)
    B, D, K = 16384, 128, 64
    x_c = jax.random.normal(k1, (B, D), dtype=jnp.float32)
    # delta (interval radius) is nonnegative
    x_delta = jax.random.uniform(k2, (B, D), dtype=jnp.float32)
    target_idx = jnp.arange(K, dtype=jnp.int32)
    return {"x_c": x_c, "x_delta": x_delta, "target_idx": target_idx}


def reference(x_c, x_delta, target_idx):
    # select_from_index(1, target_idx): gather columns of both center and radius
    c_sel = jnp.take(x_c, target_idx, axis=1)      # [B, K]
    d_sel = jnp.take(x_delta, target_idx, axis=1)  # [B, K]
    # getInterval(): left = c - delta, right = c + delta
    left = c_sel - d_sel                            # [B, K]
    right = c_sel + d_sel                           # [B, K]
    # trajectories_l[x_idx].append(left[x_idx]); trajectories_r[x_idx].append(right[x_idx])
    # -> represented as the stacked bounds appended this step.
    return jnp.stack([left, right], axis=0)         # [2, B, K]

if __name__ == "__main__":
    import jax
    _d = setup_inputs()
    print(jax.jit(kernel)(*tuple(_d.values())))

</pallas_src>

<mosaic_0001>
#map = affine_map<(d0, d1) -> (0)>
module attributes {stable_mosaic.version = 14 : i64} {
  func.func @sc_kernel(%arg0: i32, %arg1: i32, %arg2: memref<2097152xf32, #tpu.memory_space<hbm>>, %arg3: memref<2097152xf32, #tpu.memory_space<hbm>>, %arg4: memref<64xi32, #tpu.memory_space<hbm>>, %arg5: memref<2097152xf32, #tpu.memory_space<hbm>>, %arg6: memref<64xi32, #tpu.memory_space<vmem>>, %arg7: memref<16384xf32, #tpu.memory_space<vmem>>, %arg8: memref<16384xf32, #tpu.memory_space<vmem>>, %arg9: memref<16384xf32, #tpu.memory_space<vmem>>, %arg10: memref<16384xf32, #tpu.memory_space<vmem>>, %arg11: memref<8192xf32, #tpu.memory_space<vmem>>, %arg12: memref<8192xf32, #tpu.memory_space<vmem>>, %arg13: memref<8192xf32, #tpu.memory_space<vmem>>, %arg14: memref<8192xf32, #tpu.memory_space<vmem>>, %arg15: memref<!tpu.dma_semaphore, #tpu.memory_space<semaphore_mem>>, %arg16: memref<!tpu.dma_semaphore, #tpu.memory_space<semaphore_mem>>, %arg17: memref<!tpu.dma_semaphore, #tpu.memory_space<semaphore_mem>>, %arg18: memref<!tpu.dma_semaphore, #tpu.memory_space<semaphore_mem>>) attributes {dimension_semantics = [#tpu.dimension_semantics<core_parallel>, #tpu.dimension_semantics<subcore_parallel>], iteration_bounds = array<i64: 2, 16>, scalar_prefetch = 0 : i64, scratch_operands = 13 : i64, tpu.core_type = #tpu.core_type<sc_vector_subcore>, window_params = [{transform_indices = #map}, {transform_indices = #map}, {transform_indices = #map}, {transform_indices = #map}]} {
    %mul3A = arith.constant 2 : i32
    %mul3A_0 = arith.muli %arg1, %mul3A : i32
    %add3A = arith.addi %mul3A_0, %arg0 : i32
    %mul3A_1 = arith.constant 512 : i32
    %mul3A_2 = arith.muli %add3A, %mul3A_1 : i32
    "tpu.region"() ({
      %run_scoped3A = tpu.sem_alloc : memref<!tpu.dma_semaphore, #tpu.memory_space<semaphore_mem>>
      tpu.enqueue_dma source(%arg4 : memref<64xi32, #tpu.memory_space<hbm>>) target(%arg6 : memref<64xi32, #tpu.memory_space<vmem>>) target_semaphore(%run_scoped3A : memref<!tpu.dma_semaphore, #tpu.memory_space<semaphore_mem>>)
      tpu.wait_dma2 semaphore(%run_scoped3A : memref<!tpu.dma_semaphore, #tpu.memory_space<semaphore_mem>>) src(%arg4 : memref<64xi32, #tpu.memory_space<hbm>>) dst(%arg6 : memref<64xi32, #tpu.memory_space<vmem>>)
      tpu.yield
    }) : () -> ()
    %get3A = arith.constant 0 : index
    %get3A_3 = tpu.vector_load %arg6[%get3A] {strides = array<i32>} : memref<64xi32, #tpu.memory_space<vmem>>, vector<16xi32>,
    %get3A_4 = arith.constant 16 : index
    %get3A_5 = tpu.vector_load %arg6[%get3A_4] {strides = array<i32>} : memref<64xi32, #tpu.memory_space<vmem>>, vector<16xi32>,
    %get3A_6 = arith.constant 32 : index
    %get3A_7 = tpu.vector_load %arg6[%get3A_6] {strides = array<i32>} : memref<64xi32, #tpu.memory_space<vmem>>, vector<16xi32>,
    %get3A_8 = arith.constant 48 : index
    %get3A_9 = tpu.vector_load %arg6[%get3A_8] {strides = array<i32>} : memref<64xi32, #tpu.memory_space<vmem>>, vector<16xi32>,
    %add3A_10 = arith.constant 0 : i32
    %add3A_11 = arith.addi %mul3A_2, %add3A_10 : i32
    %mul3A_12 = arith.constant 128 : i32
    %mul3A_13 = arith.muli %add3A_11, %mul3A_12 : i32
    %dma_start3A = tpu.memref_slice %arg2[%mul3A_13] : memref<2097152xf32, #tpu.memory_space<hbm>> -> memref<16384xf32, #tpu.memory_space<hbm>>
    %dma_start3A_14 = tpu.memref_slice %arg2[%mul3A_13] : memref<2097152xf32, #tpu.memory_space<hbm>> -> memref<16384xf32, #tpu.memory_space<hbm>>
    tpu.enqueue_dma source(%dma_start3A_14 : memref<16384xf32, #tpu.memory_space<hbm>>) target(%arg7 : memref<16384xf32, #tpu.memory_space<vmem>>) target_semaphore(%arg15 : memref<!tpu.dma_semaphore, #tpu.memory_space<semaphore_mem>>)
    %mul3A_15 = arith.constant 128 : i32
    %mul3A_16 = arith.muli %add3A_11, %mul3A_15 : i32
    %dma_start3A_17 = tpu.memref_slice %arg3[%mul3A_16] : memref<2097152xf32, #tpu.memory_space<hbm>> -> memref<16384xf32, #tpu.memory_space<hbm>>
    %dma_start3A_18 = tpu.memref_slice %arg3[%mul3A_16] : memref<2097152xf32, #tpu.memory_space<hbm>> -> memref<16384xf32, #tpu.memory_space<hbm>>
    tpu.enqueue_dma source(%dma_start3A_18 : memref<16384xf32, #tpu.memory_space<hbm>>) target(%arg9 : memref<16384xf32, #tpu.memory_space<vmem>>) target_semaphore(%arg15 : memref<!tpu.dma_semaphore, #tpu.memory_space<semaphore_mem>>)
    %add3A_19 = arith.constant 128 : i32
    %add3A_20 = arith.addi %mul3A_2, %add3A_19 : i32
    %mul3A_21 = arith.constant 128 : i32
    %mul3A_22 = arith.muli %add3A_20, %mul3A_21 : i32
    %dma_start3A_23 = tpu.memref_slice %arg2[%mul3A_22] : memref<2097152xf32, #tpu.memory_space<hbm>> -> memref<16384xf32, #tpu.memory_space<hbm>>
    %dma_start3A_24 = tpu.memref_slice %arg2[%mul3A_22] : memref<2097152xf32, #tpu.memory_space<hbm>> -> memref<16384xf32, #tpu.memory_space<hbm>>
    tpu.enqueue_dma source(%dma_start3A_24 : memref<16384xf32, #tpu.memory_space<hbm>>) target(%arg8 : memref<16384xf32, #tpu.memory_space<vmem>>) target_semaphore(%arg16 : memref<!tpu.dma_semaphore, #tpu.memory_space<semaphore_mem>>)
    %mul3A_25 = arith.constant 128 : i32
    %mul3A_26 = arith.muli %add3A_20, %mul3A_25 : i32
    %dma_start3A_27 = tpu.memref_slice %arg3[%mul3A_26] : memref<2097152xf32, #tpu.memory_space<hbm>> -> memref<16384xf32, #tpu.memory_space<hbm>>
    %dma_start3A_28 = tpu.memref_slice %arg3[%mul3A_26] : memref<2097152xf32, #tpu.memory_space<hbm>> -> memref<16384xf32, #tpu.memory_space<hbm>>
    tpu.enqueue_dma source(%dma_start3A_28 : memref<16384xf32, #tpu.memory_space<hbm>>) target(%arg10 : memref<16384xf32, #tpu.memory_space<vmem>>) target_semaphore(%arg16 : memref<!tpu.dma_semaphore, #tpu.memory_space<semaphore_mem>>)
    %dma_wait3A = tpu.memref_slice %arg2[%mul3A_13] : memref<2097152xf32, #tpu.memory_space<hbm>> -> memref<16384xf32, #tpu.memory_space<hbm>>
    %dma_wait3A_29 = tpu.memref_slice %arg2[%mul3A_13] : memref<2097152xf32, #tpu.memory_space<hbm>> -> memref<16384xf32, #tpu.memory_space<hbm>>
    tpu.wait_dma2 semaphore(%arg15 : memref<!tpu.dma_semaphore, #tpu.memory_space<semaphore_mem>>) src(%dma_wait3A_29 : memref<16384xf32, #tpu.memory_space<hbm>>) dst(%arg7 : memref<16384xf32, #tpu.memory_space<vmem>>)
    %dma_wait3A_30 = tpu.memref_slice %arg3[%mul3A_16] : memref<2097152xf32, #tpu.memory_space<hbm>> -> memref<16384xf32, #tpu.memory_space<hbm>>
    %dma_wait3A_31 = tpu.memref_slice %arg3[%mul3A_16] : memref<2097152xf32, #tpu.memory_space<hbm>> -> memref<16384xf32, #tpu.memory_space<hbm>>
    tpu.wait_dma2 semaphore(%arg15 : memref<!tpu.dma_semaphore, #tpu.memory_space<semaphore_mem>>) src(%dma_wait3A_31 : memref<16384xf32, #tpu.memory_space<hbm>>) dst(%arg9 : memref<16384xf32, #tpu.memory_space<vmem>>)
    %parallel_loop3A = arith.constant 0 : i32
    %parallel_loop3A_32 = arith.constant 128 : i32
    %parallel_loop3A_33 = arith.constant 1 : i32
    scf.for %parallel_loop3A_139 = %parallel_loop3A to %parallel_loop3A_32 step %parallel_loop3A_33  : i32 {
      %parallel_loop3A_140 = arith.constant 128 : i32
      %parallel_loop3A_141 = arith.muli %parallel_loop3A_139, %parallel_loop3A_140 : i32
      %parallel_loop3A_142 = arith.constant 64 : i32
      %parallel_loop3A_143 = arith.muli %parallel_loop3A_139, %parallel_loop3A_142 : i32
      %parallel_loop3A_144 = vector.broadcast %parallel_loop3A_141 : i32 to vector<16xi32>
      %parallel_loop3A_145 = arith.addi %get3A_3, %parallel_loop3A_144 : vector<16xi32>
      %parallel_loop3A_146 = tpu.vector_load_idx %arg7[%parallel_loop3A_145] : memref<16384xf32, #tpu.memory_space<vmem>>[vector<16xi32>], vector<16xf32>,
      %parallel_loop3A_147 = tpu.vector_load_idx %arg9[%parallel_loop3A_145] : memref<16384xf32, #tpu.memory_space<vmem>>[vector<16xi32>], vector<16xf32>,
      %parallel_loop3A_148 = arith.subf %parallel_loop3A_146, %parallel_loop3A_147 : vector<16xf32>
      %parallel_loop3A_149 = arith.constant 0 : i32
      %parallel_loop3A_150 = arith.addi %parallel_loop3A_143, %parallel_loop3A_149 : i32
      %parallel_loop3A_151 = arith.index_cast %parallel_loop3A_150 : i32 to index
      %parallel_loop3A_152 = tpu.vector_load %arg11[%parallel_loop3A_151] {strides = array<i32>} : memref<8192xf32, #tpu.memory_space<vmem>>, vector<16xf32>,
      tpu.vector_store %arg11[%parallel_loop3A_151], %parallel_loop3A_148 {strides = array<i32>} : memref<8192xf32, #tpu.memory_space<vmem>>, vector<16xf32>,
      %parallel_loop3A_153 = arith.addf %parallel_loop3A_146, %parallel_loop3A_147 : vector<16xf32>
      %parallel_loop3A_154 = arith.constant 0 : i32
      %parallel_loop3A_155 = arith.addi %parallel_loop3A_143, %parallel_loop3A_154 : i32
      %parallel_loop3A_156 = arith.index_cast %parallel_loop3A_155 : i32 to index
      %parallel_loop3A_157 = tpu.vector_load %arg13[%parallel_loop3A_156] {strides = array<i32>} : memref<8192xf32, #tpu.memory_space<vmem>>, vector<16xf32>,
      tpu.vector_store %arg13[%parallel_loop3A_156], %parallel_loop3A_153 {strides = array<i32>} : memref<8192xf32, #tpu.memory_space<vmem>>, vector<16xf32>,
      %parallel_loop3A_158 = vector.broadcast %parallel_loop3A_141 : i32 to vector<16xi32>
      %parallel_loop3A_159 = arith.addi %get3A_5, %parallel_loop3A_158 : vector<16xi32>
      %parallel_loop3A_160 = tpu.vector_load_idx %arg7[%parallel_loop3A_159] : memref<16384xf32, #tpu.memory_space<vmem>>[vector<16xi32>], vector<16xf32>,
      %parallel_loop3A_161 = tpu.vector_load_idx %arg9[%parallel_loop3A_159] : memref<16384xf32, #tpu.memory_space<vmem>>[vector<16xi32>], vector<16xf32>,
      %parallel_loop3A_162 = arith.subf %parallel_loop3A_160, %parallel_loop3A_161 : vector<16xf32>
      %parallel_loop3A_163 = arith.constant 16 : i32
      %parallel_loop3A_164 = arith.addi %parallel_loop3A_143, %parallel_loop3A_163 : i32
      %parallel_loop3A_165 = arith.index_cast %parallel_loop3A_164 : i32 to index
      %parallel_loop3A_166 = tpu.vector_load %arg11[%parallel_loop3A_165] {strides = array<i32>} : memref<8192xf32, #tpu.memory_space<vmem>>, vector<16xf32>,
      tpu.vector_store %arg11[%parallel_loop3A_165], %parallel_loop3A_162 {strides = array<i32>} : memref<8192xf32, #tpu.memory_space<vmem>>, vector<16xf32>,
      %parallel_loop3A_167 = arith.addf %parallel_loop3A_160, %parallel_loop3A_161 : vector<16xf32>
      %parallel_loop3A_168 = arith.constant 16 : i32
      %parallel_loop3A_169 = arith.addi %parallel_loop3A_143, %parallel_loop3A_168 : i32
      %parallel_loop3A_170 = arith.index_cast %parallel_loop3A_169 : i32 to index
      %parallel_loop3A_171 = tpu.vector_load %arg13[%parallel_loop3A_170] {strides = array<i32>} : memref<8192xf32, #tpu.memory_space<vmem>>, vector<16xf32>,
      tpu.vector_store %arg13[%parallel_loop3A_170], %parallel_loop3A_167 {strides = array<i32>} : memref<8192xf32, #tpu.memory_space<vmem>>, vector<16xf32>,
      %parallel_loop3A_172 = vector.broadcast %parallel_loop3A_141 : i32 to vector<16xi32>
      %parallel_loop3A_173 = arith.addi %get3A_7, %parallel_loop3A_172 : vector<16xi32>
      %parallel_loop3A_174 = tpu.vector_load_idx %arg7[%parallel_loop3A_173] : memref<16384xf32, #tpu.memory_space<vmem>>[vector<16xi32>], vector<16xf32>,
      %parallel_loop3A_175 = tpu.vector_load_idx %arg9[%parallel_loop3A_173] : memref<16384xf32, #tpu.memory_space<vmem>>[vector<16xi32>], vector<16xf32>,
      %parallel_loop3A_176 = arith.subf %parallel_loop3A_174, %parallel_loop3A_175 : vector<16xf32>
      %parallel_loop3A_177 = arith.constant 32 : i32
      %parallel_loop3A_178 = arith.addi %parallel_loop3A_143, %parallel_loop3A_177 : i32
      %parallel_loop3A_179 = arith.index_cast %parallel_loop3A_178 : i32 to index
      %parallel_loop3A_180 = tpu.vector_load %arg11[%parallel_loop3A_179] {strides = array<i32>} : memref<8192xf32, #tpu.memory_space<vmem>>, vector<16xf32>,
      tpu.vector_store %arg11[%parallel_loop3A_179], %parallel_loop3A_176 {strides = array<i32>} : memref<8192xf32, #tpu.memory_space<vmem>>, vector<16xf32>,
      %parallel_loop3A_181 = arith.addf %parallel_loop3A_174, %parallel_loop3A_175 : vector<16xf32>
      %parallel_loop3A_182 = arith.constant 32 : i32
      %parallel_loop3A_183 = arith.addi %parallel_loop3A_143, %parallel_loop3A_182 : i32
      %parallel_loop3A_184 = arith.index_cast %parallel_loop3A_183 : i32 to index
      %parallel_loop3A_185 = tpu.vector_load %arg13[%parallel_loop3A_184] {strides = array<i32>} : memref<8192xf32, #tpu.memory_space<vmem>>, vector<16xf32>,
      tpu.vector_store %arg13[%parallel_loop3A_184], %parallel_loop3A_181 {strides = array<i32>} : memref<8192xf32, #tpu.memory_space<vmem>>, vector<16xf32>,
      %parallel_loop3A_186 = vector.broadcast %parallel_loop3A_141 : i32 to vector<16xi32>
      %parallel_loop3A_187 = arith.addi %get3A_9, %parallel_loop3A_186 : vector<16xi32>
      %parallel_loop3A_188 = tpu.vector_load_idx %arg7[%parallel_loop3A_187] : memref<16384xf32, #tpu.memory_space<vmem>>[vector<16xi32>], vector<16xf32>,
      %parallel_loop3A_189 = tpu.vector_load_idx %arg9[%parallel_loop3A_187] : memref<16384xf32, #tpu.memory_space<vmem>>[vector<16xi32>], vector<16xf32>,
      %parallel_loop3A_190 = arith.subf %parallel_loop3A_188, %parallel_loop3A_189 : vector<16xf32>
      %parallel_loop3A_191 = arith.constant 48 : i32
      %parallel_loop3A_192 = arith.addi %parallel_loop3A_143, %parallel_loop3A_191 : i32
      %parallel_loop3A_193 = arith.index_cast %parallel_loop3A_192 : i32 to index
      %parallel_loop3A_194 = tpu.vector_load %arg11[%parallel_loop3A_193] {strides = array<i32>} : memref<8192xf32, #tpu.memory_space<vmem>>, vector<16xf32>,
      tpu.vector_store %arg11[%parallel_loop3A_193], %parallel_loop3A_190 {strides = array<i32>} : memref<8192xf32, #tpu.memory_space<vmem>>, vector<16xf32>,
      %parallel_loop3A_195 = arith.addf %parallel_loop3A_188, %parallel_loop3A_189 : vector<16xf32>
      %parallel_loop3A_196 = arith.constant 48 : i32
      %parallel_loop3A_197 = arith.addi %parallel_loop3A_143, %parallel_loop3A_196 : i32
      %parallel_loop3A_198 = arith.index_cast %parallel_loop3A_197 : i32 to index
      %parallel_loop3A_199 = tpu.vector_load %arg13[%parallel_loop3A_198] {strides = array<i32>} : memref<8192xf32, #tpu.memory_space<vmem>>, vector<16xf32>,
      tpu.vector_store %arg13[%parallel_loop3A_198], %parallel_loop3A_195 {strides = array<i32>} : memref<8192xf32, #tpu.memory_space<vmem>>, vector<16xf32>,
    } {sc.loop_unroll_factor = 4 : i64, sc.parallel_access}
    %add3A_34 = arith.constant 0 : i32
    %add3A_35 = arith.addi %mul3A_2, %add3A_34 : i32
    %mul3A_36 = arith.constant 64 : i32
    %mul3A_37 = arith.muli %add3A_35, %mul3A_36 : i32
    %dma_start3A_38 = tpu.memref_slice %arg5[%mul3A_37] : memref<2097152xf32, #tpu.memory_space<hbm>> -> memref<8192xf32, #tpu.memory_space<hbm>>
    %dma_start3A_39 = tpu.memref_slice %arg5[%mul3A_37] : memref<2097152xf32, #tpu.memory_space<hbm>> -> memref<8192xf32, #tpu.memory_space<hbm>>
    tpu.enqueue_dma source(%arg11 : memref<8192xf32, #tpu.memory_space<vmem>>) target(%dma_start3A_39 : memref<8192xf32, #tpu.memory_space<hbm>>) target_semaphore(%arg17 : memref<!tpu.dma_semaphore, #tpu.memory_space<semaphore_mem>>)
    %mul3A_40 = arith.constant 64 : i32
    %mul3A_41 = arith.muli %add3A_35, %mul3A_40 : i32
    %add3A_42 = arith.constant 1048576 : i32
    %add3A_43 = arith.addi %add3A_42, %mul3A_41 : i32
    %dma_start3A_44 = tpu.memref_slice %arg5[%add3A_43] : memref<2097152xf32, #tpu.memory_space<hbm>> -> memref<8192xf32, #tpu.memory_space<hbm>>
    %dma_start3A_45 = tpu.memref_slice %arg5[%add3A_43] : memref<2097152xf32, #tpu.memory_space<hbm>> -> memref<8192xf32, #tpu.memory_space<hbm>>
    tpu.enqueue_dma source(%arg13 : memref<8192xf32, #tpu.memory_space<vmem>>) target(%dma_start3A_45 : memref<8192xf32, #tpu.memory_space<hbm>>) target_semaphore(%arg17 : memref<!tpu.dma_semaphore, #tpu.memory_space<semaphore_mem>>)
    %add3A_46 = arith.constant 256 : i32
    %add3A_47 = arith.addi %mul3A_2, %add3A_46 : i32
    %mul3A_48 = arith.constant 128 : i32
    %mul3A_49 = arith.muli %add3A_47, %mul3A_48 : i32
    %dma_start3A_50 = tpu.memref_slice %arg2[%mul3A_49] : memref<2097152xf32, #tpu.memory_space<hbm>> -> memref<16384xf32, #tpu.memory_space<hbm>>
    %dma_start3A_51 = tpu.memref_slice %arg2[%mul3A_49] : memref<2097152xf32, #tpu.memory_space<hbm>> -> memref<16384xf32, #tpu.memory_space<hbm>>
    tpu.enqueue_dma source(%dma_start3A_51 : memref<16384xf32, #tpu.memory_space<hbm>>) target(%arg7 : memref<16384xf32, #tpu.memory_space<vmem>>) target_semaphore(%arg15 : memref<!tpu.dma_semaphore, #tpu.memory_space<semaphore_mem>>)
    %mul3A_52 = arith.constant 128 : i32
    %mul3A_53 = arith.muli %add3A_47, %mul3A_52 : i32
    %dma_start3A_54 = tpu.memref_slice %arg3[%mul3A_53] : memref<2097152xf32, #tpu.memory_space<hbm>> -> memref<16384xf32, #tpu.memory_space<hbm>>
    %dma_start3A_55 = tpu.memref_slice %arg3[%mul3A_53] : memref<2097152xf32, #tpu.memory_space<hbm>> -> memref<16384xf32, #tpu.memory_space<hbm>>
    tpu.enqueue_dma source(%dma_start3A_55 : memref<16384xf32, #tpu.memory_space<hbm>>) target(%arg9 : memref<16384xf32, #tpu.memory_space<vmem>>) target_semaphore(%arg15 : memref<!tpu.dma_semaphore, #tpu.memory_space<semaphore_mem>>)
    %dma_wait3A_56 = tpu.memref_slice %arg2[%mul3A_22] : memref<2097152xf32, #tpu.memory_space<hbm>> -> memref<16384xf32, #tpu.memory_space<hbm>>
    %dma_wait3A_57 = tpu.memref_slice %arg2[%mul3A_22] : memref<2097152xf32, #tpu.memory_space<hbm>> -> memref<16384xf32, #tpu.memory_space<hbm>>
    tpu.wait_dma2 semaphore(%arg16 : memref<!tpu.dma_semaphore, #tpu.memory_space<semaphore_mem>>) src(%dma_wait3A_57 : memref<16384xf32, #tpu.memory_space<hbm>>) dst(%arg8 : memref<16384xf32, #tpu.memory_space<vmem>>)
    %dma_wait3A_58 = tpu.memref_slice %arg3[%mul3A_26] : memref<2097152xf32, #tpu.memory_space<hbm>> -> memref<16384xf32, #tpu.memory_space<hbm>>
    %dma_wait3A_59 = tpu.memref_slice %arg3[%mul3A_26] : memref<2097152xf32, #tpu.memory_space<hbm>> -> memref<16384xf32, #tpu.memory_space<hbm>>
    tpu.wait_dma2 semaphore(%arg16 : memref<!tpu.dma_semaphore, #tpu.memory_space<semaphore_mem>>) src(%dma_wait3A_59 : memref<16384xf32, #tpu.memory_space<hbm>>) dst(%arg10 : memref<16384xf32, #tpu.memory_space<vmem>>)
    %parallel_loop3A_60 = arith.constant 0 : i32
    %parallel_loop3A_61 = arith.constant 128 : i32
    %parallel_loop3A_62 = arith.constant 1 : i32
    scf.for %parallel_loop3A_139 = %parallel_loop3A_60 to %parallel_loop3A_61 step %parallel_loop3A_62  : i32 {
      %parallel_loop3A_140 = arith.constant 128 : i32
      %parallel_loop3A_141 = arith.muli %parallel_loop3A_139, %parallel_loop3A_140 : i32
      %parallel_loop3A_142 = arith.constant 64 : i32
      %parallel_loop3A_143 = arith.muli %parallel_loop3A_139, %parallel_loop3A_142 : i32
      %parallel_loop3A_144 = vector.broadcast %parallel_loop3A_141 : i32 to vector<16xi32>
      %parallel_loop3A_145 = arith.addi %get3A_3, %parallel_loop3A_144 : vector<16xi32>
      %parallel_loop3A_146 = tpu.vector_load_idx %arg8[%parallel_loop3A_145] : memref<16384xf32, #tpu.memory_space<vmem>>[vector<16xi32>], vector<16xf32>,
      %parallel_loop3A_147 = tpu.vector_load_idx %arg10[%parallel_loop3A_145] : memref<16384xf32, #tpu.memory_space<vmem>>[vector<16xi32>], vector<16xf32>,
      %parallel_loop3A_148 = arith.subf %parallel_loop3A_146, %parallel_loop3A_147 : vector<16xf32>
      %parallel_loop3A_149 = arith.constant 0 : i32
      %parallel_loop3A_150 = arith.addi %parallel_loop3A_143, %parallel_loop3A_149 : i32
      %parallel_loop3A_151 = arith.index_cast %parallel_loop3A_150 : i32 to index
      %parallel_loop3A_152 = tpu.vector_load %arg12[%parallel_loop3A_151] {strides = array<i32>} : memref<8192xf32, #tpu.memory_space<vmem>>, vector<16xf32>,
      tpu.vector_store %arg12[%parallel_loop3A_151], %parallel_loop3A_148 {strides = array<i32>} : memref<8192xf32, #tpu.memory_space<vmem>>, vector<16xf32>,
      %parallel_loop3A_153 = arith.addf %parallel_loop3A_146, %parallel_loop3A_147 : vector<16xf32>
      %parallel_loop3A_154 = arith.constant 0 : i32
      %parallel_loop3A_155 = arith.addi %parallel_loop3A_143, %parallel_loop3A_154 : i32
      %parallel_loop3A_156 = arith.index_cast %parallel_loop3A_155 : i32 to index
      %parallel_loop3A_157 = tpu.vector_load %arg14[%parallel_loop3A_156] {strides = array<i32>} : memref<8192xf32, #tpu.memory_space<vmem>>, vector<16xf32>,
      tpu.vector_store %arg14[%parallel_loop3A_156], %parallel_loop3A_153 {strides = array<i32>} : memref<8192xf32, #tpu.memory_space<vmem>>, vector<16xf32>,
      %parallel_loop3A_158 = vector.broadcast %parallel_loop3A_141 : i32 to vector<16xi32>
      %parallel_loop3A_159 = arith.addi %get3A_5, %parallel_loop3A_158 : vector<16xi32>
      %parallel_loop3A_160 = tpu.vector_load_idx %arg8[%parallel_loop3A_159] : memref<16384xf32, #tpu.memory_space<vmem>>[vector<16xi32>], vector<16xf32>,
      %parallel_loop3A_161 = tpu.vector_load_idx %arg10[%parallel_loop3A_159] : memref<16384xf32, #tpu.memory_space<vmem>>[vector<16xi32>], vector<16xf32>,
      %parallel_loop3A_162 = arith.subf %parallel_loop3A_160, %parallel_loop3A_161 : vector<16xf32>
      %parallel_loop3A_163 = arith.constant 16 : i32
      %parallel_loop3A_164 = arith.addi %parallel_loop3A_143, %parallel_loop3A_163 : i32
      %parallel_loop3A_165 = arith.index_cast %parallel_loop3A_164 : i32 to index
      %parallel_loop3A_166 = tpu.vector_load %arg12[%parallel_loop3A_165] {strides = array<i32>} : memref<8192xf32, #tpu.memory_space<vmem>>, vector<16xf32>,
      tpu.vector_store %arg12[%parallel_loop3A_165], %parallel_loop3A_162 {strides = array<i32>} : memref<8192xf32, #tpu.memory_space<vmem>>, vector<16xf32>,
      %parallel_loop3A_167 = arith.addf %parallel_loop3A_160, %parallel_loop3A_161 : vector<16xf32>
      %parallel_loop3A_168 = arith.constant 16 : i32
      %parallel_loop3A_169 = arith.addi %parallel_loop3A_143, %parallel_loop3A_168 : i32
      %parallel_loop3A_170 = arith.index_cast %parallel_loop3A_169 : i32 to index
      %parallel_loop3A_171 = tpu.vector_load %arg14[%parallel_loop3A_170] {strides = array<i32>} : memref<8192xf32, #tpu.memory_space<vmem>>, vector<16xf32>,
      tpu.vector_store %arg14[%parallel_loop3A_170], %parallel_loop3A_167 {strides = array<i32>} : memref<8192xf32, #tpu.memory_space<vmem>>, vector<16xf32>,
      %parallel_loop3A_172 = vector.broadcast %parallel_loop3A_141 : i32 to vector<16xi32>
      %parallel_loop3A_173 = arith.addi %get3A_7, %parallel_loop3A_172 : vector<16xi32>
      %parallel_loop3A_174 = tpu.vector_load_idx %arg8[%parallel_loop3A_173] : memref<16384xf32, #tpu.memory_space<vmem>>[vector<16xi32>], vector<16xf32>,
      %parallel_loop3A_175 = tpu.vector_load_idx %arg10[%parallel_loop3A_173] : memref<16384xf32, #tpu.memory_space<vmem>>[vector<16xi32>], vector<16xf32>,
      %parallel_loop3A_176 = arith.subf %parallel_loop3A_174, %parallel_loop3A_175 : vector<16xf32>
      %parallel_loop3A_177 = arith.constant 32 : i32
      %parallel_loop3A_178 = arith.addi %parallel_loop3A_143, %parallel_loop3A_177 : i32
      %parallel_loop3A_179 = arith.index_cast %parallel_loop3A_178 : i32 to index
      %parallel_loop3A_180 = tpu.vector_load %arg12[%parallel_loop3A_179] {strides = array<i32>} : memref<8192xf32, #tpu.memory_space<vmem>>, vector<16xf32>,
      tpu.vector_store %arg12[%parallel_loop3A_179], %parallel_loop3A_176 {strides = array<i32>} : memref<8192xf32, #tpu.memory_space<vmem>>, vector<16xf32>,
      %parallel_loop3A_181 = arith.addf %parallel_loop3A_174, %parallel_loop3A_175 : vector<16xf32>
      %parallel_loop3A_182 = arith.constant 32 : i32
      %parallel_loop3A_183 = arith.addi %parallel_loop3A_143, %parallel_loop3A_182 : i32
      %parallel_loop3A_184 = arith.index_cast %parallel_loop3A_183 : i32 to index
      %parallel_loop3A_185 = tpu.vector_load %arg14[%parallel_loop3A_184] {strides = array<i32>} : memref<8192xf32, #tpu.memory_space<vmem>>, vector<16xf32>,
      tpu.vector_store %arg14[%parallel_loop3A_184], %parallel_loop3A_181 {strides = array<i32>} : memref<8192xf32, #tpu.memory_space<vmem>>, vector<16xf32>,
      %parallel_loop3A_186 = vector.broadcast %parallel_loop3A_141 : i32 to vector<16xi32>
      %parallel_loop3A_187 = arith.addi %get3A_9, %parallel_loop3A_186 : vector<16xi32>
      %parallel_loop3A_188 = tpu.vector_load_idx %arg8[%parallel_loop3A_187] : memref<16384xf32, #tpu.memory_space<vmem>>[vector<16xi32>], vector<16xf32>,
      %parallel_loop3A_189 = tpu.vector_load_idx %arg10[%parallel_loop3A_187] : memref<16384xf32, #tpu.memory_space<vmem>>[vector<16xi32>], vector<16xf32>,
      %parallel_loop3A_190 = arith.subf %parallel_loop3A_188, %parallel_loop3A_189 : vector<16xf32>
      %parallel_loop3A_191 = arith.constant 48 : i32
      %parallel_loop3A_192 = arith.addi %parallel_loop3A_143, %parallel_loop3A_191 : i32
      %parallel_loop3A_193 = arith.index_cast %parallel_loop3A_192 : i32 to index
      %parallel_loop3A_194 = tpu.vector_load %arg12[%parallel_loop3A_193] {strides = array<i32>} : memref<8192xf32, #tpu.memory_space<vmem>>, vector<16xf32>,
      tpu.vector_store %arg12[%parallel_loop3A_193], %parallel_loop3A_190 {strides = array<i32>} : memref<8192xf32, #tpu.memory_space<vmem>>, vector<16xf32>,
      %parallel_loop3A_195 = arith.addf %parallel_loop3A_188, %parallel_loop3A_189 : vector<16xf32>
      %parallel_loop3A_196 = arith.constant 48 : i32
      %parallel_loop3A_197 = arith.addi %parallel_loop3A_143, %parallel_loop3A_196 : i32
      %parallel_loop3A_198 = arith.index_cast %parallel_loop3A_197 : i32 to index
      %parallel_loop3A_199 = tpu.vector_load %arg14[%parallel_loop3A_198] {strides = array<i32>} : memref<8192xf32, #tpu.memory_space<vmem>>, vector<16xf32>,
      tpu.vector_store %arg14[%parallel_loop3A_198], %parallel_loop3A_195 {strides = array<i32>} : memref<8192xf32, #tpu.memory_space<vmem>>, vector<16xf32>,
    } {sc.loop_unroll_factor = 4 : i64, sc.parallel_access}
    %add3A_63 = arith.constant 128 : i32
    %add3A_64 = arith.addi %mul3A_2, %add3A_63 : i32
    %mul3A_65 = arith.constant 64 : i32
    %mul3A_66 = arith.muli %add3A_64, %mul3A_65 : i32
    %dma_start3A_67 = tpu.memref_slice %arg5[%mul3A_66] : memref<2097152xf32, #tpu.memory_space<hbm>> -> memref<8192xf32, #tpu.memory_space<hbm>>
    %dma_start3A_68 = tpu.memref_slice %arg5[%mul3A_66] : memref<2097152xf32, #tpu.memory_space<hbm>> -> memref<8192xf32, #tpu.memory_space<hbm>>
    tpu.enqueue_dma source(%arg12 : memref<8192xf32, #tpu.memory_space<vmem>>) target(%dma_start3A_68 : memref<8192xf32, #tpu.memory_space<hbm>>) target_semaphore(%arg18 : memref<!tpu.dma_semaphore, #tpu.memory_space<semaphore_mem>>)
    %mul3A_69 = arith.constant 64 : i32
    %mul3A_70 = arith.muli %add3A_64, %mul3A_69 : i32
    %add3A_71 = arith.constant 1048576 : i32
    %add3A_72 = arith.addi %add3A_71, %mul3A_70 : i32
    %dma_start3A_73 = tpu.memref_slice %arg5[%add3A_72] : memref<2097152xf32, #tpu.memory_space<hbm>> -> memref<8192xf32, #tpu.memory_space<hbm>>
    %dma_start3A_74 = tpu.memref_slice %arg5[%add3A_72] : memref<2097152xf32, #tpu.memory_space<hbm>> -> memref<8192xf32, #tpu.memory_space<hbm>>
    tpu.enqueue_dma source(%arg14 : memref<8192xf32, #tpu.memory_space<vmem>>) target(%dma_start3A_74 : memref<8192xf32, #tpu.memory_space<hbm>>) target_semaphore(%arg18 : memref<!tpu.dma_semaphore, #tpu.memory_space<semaphore_mem>>)
    %add3A_75 = arith.constant 384 : i32
    %add3A_76 = arith.addi %mul3A_2, %add3A_75 : i32
    %mul3A_77 = arith.constant 128 : i32
    %mul3A_78 = arith.muli %add3A_76, %mul3A_77 : i32
    %dma_start3A_79 = tpu.memref_slice %arg2[%mul3A_78] : memref<2097152xf32, #tpu.memory_space<hbm>> -> memref<16384xf32, #tpu.memory_space<hbm>>
    %dma_start3A_80 = tpu.memref_slice %arg2[%mul3A_78] : memref<2097152xf32, #tpu.memory_space<hbm>> -> memref<16384xf32, #tpu.memory_space<hbm>>
    tpu.enqueue_dma source(%dma_start3A_80 : memref<16384xf32, #tpu.memory_space<hbm>>) target(%arg8 : memref<16384xf32, #tpu.memory_space<vmem>>) target_semaphore(%arg16 : memref<!tpu.dma_semaphore, #tpu.memory_space<semaphore_mem>>)
    %mul3A_81 = arith.constant 128 : i32
    %mul3A_82 = arith.muli %add3A_76, %mul3A_81 : i32
    %dma_start3A_83 = tpu.memref_slice %arg3[%mul3A_82] : memref<2097152xf32, #tpu.memory_space<hbm>> -> memref<16384xf32, #tpu.memory_space<hbm>>
    %dma_start3A_84 = tpu.memref_slice %arg3[%mul3A_82] : memref<2097152xf32, #tpu.memory_space<hbm>> -> memref<16384xf32, #tpu.memory_space<hbm>>
    tpu.enqueue_dma source(%dma_start3A_84 : memref<16384xf32, #tpu.memory_space<hbm>>) target(%arg10 : memref<16384xf32, #tpu.memory_space<vmem>>) target_semaphore(%arg16 : memref<!tpu.dma_semaphore, #tpu.memory_space<semaphore_mem>>)
    %dma_wait3A_85 = tpu.memref_slice %arg2[%mul3A_49] : memref<2097152xf32, #tpu.memory_space<hbm>> -> memref<16384xf32, #tpu.memory_space<hbm>>
    %dma_wait3A_86 = tpu.memref_slice %arg2[%mul3A_49] : memref<2097152xf32, #tpu.memory_space<hbm>> -> memref<16384xf32, #tpu.memory_space<hbm>>
    tpu.wait_dma2 semaphore(%arg15 : memref<!tpu.dma_semaphore, #tpu.memory_space<semaphore_mem>>) src(%dma_wait3A_86 : memref<16384xf32, #tpu.memory_space<hbm>>) dst(%arg7 : memref<16384xf32, #tpu.memory_space<vmem>>)
    %dma_wait3A_87 = tpu.memref_slice %arg3[%mul3A_53] : memref<2097152xf32, #tpu.memory_space<hbm>> -> memref<16384xf32, #tpu.memory_space<hbm>>
    %dma_wait3A_88 = tpu.memref_slice %arg3[%mul3A_53] : memref<2097152xf32, #tpu.memory_space<hbm>> -> memref<16384xf32, #tpu.memory_space<hbm>>
    tpu.wait_dma2 semaphore(%arg15 : memref<!tpu.dma_semaphore, #tpu.memory_space<semaphore_mem>>) src(%dma_wait3A_88 : memref<16384xf32, #tpu.memory_space<hbm>>) dst(%arg9 : memref<16384xf32, #tpu.memory_space<vmem>>)
    %dma_wait3A_89 = tpu.memref_slice %arg5[%mul3A_37] : memref<2097152xf32, #tpu.memory_space<hbm>> -> memref<8192xf32, #tpu.memory_space<hbm>>
    %dma_wait3A_90 = tpu.memref_slice %arg5[%mul3A_37] : memref<2097152xf32, #tpu.memory_space<hbm>> -> memref<8192xf32, #tpu.memory_space<hbm>>
    tpu.wait_dma2 semaphore(%arg17 : memref<!tpu.dma_semaphore, #tpu.memory_space<semaphore_mem>>) src(%arg11 : memref<8192xf32, #tpu.memory_space<vmem>>) dst(%dma_wait3A_90 : memref<8192xf32, #tpu.memory_space<hbm>>)
    %dma_wait3A_91 = tpu.memref_slice %arg5[%add3A_43] : memref<2097152xf32, #tpu.memory_space<hbm>> -> memref<8192xf32, #tpu.memory_space<hbm>>
    %dma_wait3A_92 = tpu.memref_slice %arg5[%add3A_43] : memref<2097152xf32, #tpu.memory_space<hbm>> -> memref<8192xf32, #tpu.memory_space<hbm>>
    tpu.wait_dma2 semaphore(%arg17 : memref<!tpu.dma_semaphore, #tpu.memory_space<semaphore_mem>>) src(%arg13 : memref<8192xf32, #tpu.memory_space<vmem>>) dst(%dma_wait3A_92 : memref<8192xf32, #tpu.memory_space<hbm>>)
    %parallel_loop3A_93 = arith.constant 0 : i32
    %parallel_loop3A_94 = arith.constant 128 : i32
    %parallel_loop3A_95 = arith.constant 1 : i32
    scf.for %parallel_loop3A_139 = %parallel_loop3A_93 to %parallel_loop3A_94 step %parallel_loop3A_95  : i32 {
      %parallel_loop3A_140 = arith.constant 128 : i32
      %parallel_loop3A_141 = arith.muli %parallel_loop3A_139, %parallel_loop3A_140 : i32
      %parallel_loop3A_142 = arith.constant 64 : i32
      %parallel_loop3A_143 = arith.muli %parallel_loop3A_139, %parallel_loop3A_142 : i32
      %parallel_loop3A_144 = vector.broadcast %parallel_loop3A_141 : i32 to vector<16xi32>
      %parallel_loop3A_145 = arith.addi %get3A_3, %parallel_loop3A_144 : vector<16xi32>
      %parallel_loop3A_146 = tpu.vector_load_idx %arg7[%parallel_loop3A_145] : memref<16384xf32, #tpu.memory_space<vmem>>[vector<16xi32>], vector<16xf32>,
      %parallel_loop3A_147 = tpu.vector_load_idx %arg9[%parallel_loop3A_145] : memref<16384xf32, #tpu.memory_space<vmem>>[vector<16xi32>], vector<16xf32>,
      %parallel_loop3A_148 = arith.subf %parallel_loop3A_146, %parallel_loop3A_147 : vector<16xf32>
      %parallel_loop3A_149 = arith.constant 0 : i32
      %parallel_loop3A_150 = arith.addi %parallel_loop3A_143, %parallel_loop3A_149 : i32
      %parallel_loop3A_151 = arith.index_cast %parallel_loop3A_150 : i32 to index
      %parallel_loop3A_152 = tpu.vector_load %arg11[%parallel_loop3A_151] {strides = array<i32>} : memref<8192xf32, #tpu.memory_space<vmem>>, vector<16xf32>,
      tpu.vector_store %arg11[%parallel_loop3A_151], %parallel_loop3A_148 {strides = array<i32>} : memref<8192xf32, #tpu.memory_space<vmem>>, vector<16xf32>,
      %parallel_loop3A_153 = arith.addf %parallel_loop3A_146, %parallel_loop3A_147 : vector<16xf32>
      %parallel_loop3A_154 = arith.constant 0 : i32
      %parallel_loop3A_155 = arith.addi %parallel_loop3A_143, %parallel_loop3A_154 : i32
      %parallel_loop3A_156 = arith.index_cast %parallel_loop3A_155 : i32 to index
      %parallel_loop3A_157 = tpu.vector_load %arg13[%parallel_loop3A_156] {strides = array<i32>} : memref<8192xf32, #tpu.memory_space<vmem>>, vector<16xf32>,
      tpu.vector_store %arg13[%parallel_loop3A_156], %parallel_loop3A_153 {strides = array<i32>} : memref<8192xf32, #tpu.memory_space<vmem>>, vector<16xf32>,
      %parallel_loop3A_158 = vector.broadcast %parallel_loop3A_141 : i32 to vector<16xi32>
      %parallel_loop3A_159 = arith.addi %get3A_5, %parallel_loop3A_158 : vector<16xi32>
      %parallel_loop3A_160 = tpu.vector_load_idx %arg7[%parallel_loop3A_159] : memref<16384xf32, #tpu.memory_space<vmem>>[vector<16xi32>], vector<16xf32>,
      %parallel_loop3A_161 = tpu.vector_load_idx %arg9[%parallel_loop3A_159] : memref<16384xf32, #tpu.memory_space<vmem>>[vector<16xi32>], vector<16xf32>,
      %parallel_loop3A_162 = arith.subf %parallel_loop3A_160, %parallel_loop3A_161 : vector<16xf32>
      %parallel_loop3A_163 = arith.constant 16 : i32
      %parallel_loop3A_164 = arith.addi %parallel_loop3A_143, %parallel_loop3A_163 : i32
      %parallel_loop3A_165 = arith.index_cast %parallel_loop3A_164 : i32 to index
      %parallel_loop3A_166 = tpu.vector_load %arg11[%parallel_loop3A_165] {strides = array<i32>} : memref<8192xf32, #tpu.memory_space<vmem>>, vector<16xf32>,
      tpu.vector_store %arg11[%parallel_loop3A_165], %parallel_loop3A_162 {strides = array<i32>} : memref<8192xf32, #tpu.memory_space<vmem>>, vector<16xf32>,
      %parallel_loop3A_167 = arith.addf %parallel_loop3A_160, %parallel_loop3A_161 : vector<16xf32>
      %parallel_loop3A_168 = arith.constant 16 : i32
      %parallel_loop3A_169 = arith.addi %parallel_loop3A_143, %parallel_loop3A_168 : i32
      %parallel_loop3A_170 = arith.index_cast %parallel_loop3A_169 : i32 to index
      %parallel_loop3A_171 = tpu.vector_load %arg13[%parallel_loop3A_170] {strides = array<i32>} : memref<8192xf32, #tpu.memory_space<vmem>>, vector<16xf32>,
      tpu.vector_store %arg13[%parallel_loop3A_170], %parallel_loop3A_167 {strides = array<i32>} : memref<8192xf32, #tpu.memory_space<vmem>>, vector<16xf32>,
      %parallel_loop3A_172 = vector.broadcast %parallel_loop3A_141 : i32 to vector<16xi32>
      %parallel_loop3A_173 = arith.addi %get3A_7, %parallel_loop3A_172 : vector<16xi32>
      %parallel_loop3A_174 = tpu.vector_load_idx %arg7[%parallel_loop3A_173] : memref<16384xf32, #tpu.memory_space<vmem>>[vector<16xi32>], vector<16xf32>,
      %parallel_loop3A_175 = tpu.vector_load_idx %arg9[%parallel_loop3A_173] : memref<16384xf32, #tpu.memory_space<vmem>>[vector<16xi32>], vector<16xf32>,
      %parallel_loop3A_176 = arith.subf %parallel_loop3A_174, %parallel_loop3A_175 : vector<16xf32>
      %parallel_loop3A_177 = arith.constant 32 : i32
      %parallel_loop3A_178 = arith.addi %parallel_loop3A_143, %parallel_loop3A_177 : i32
      %parallel_loop3A_179 = arith.index_cast %parallel_loop3A_178 : i32 to index
      %parallel_loop3A_180 = tpu.vector_load %arg11[%parallel_loop3A_179] {strides = array<i32>} : memref<8192xf32, #tpu.memory_space<vmem>>, vector<16xf32>,
      tpu.vector_store %arg11[%parallel_loop3A_179], %parallel_loop3A_176 {strides = array<i32>} : memref<8192xf32, #tpu.memory_space<vmem>>, vector<16xf32>,
      %parallel_loop3A_181 = arith.addf %parallel_loop3A_174, %parallel_loop3A_175 : vector<16xf32>
      %parallel_loop3A_182 = arith.constant 32 : i32
      %parallel_loop3A_183 = arith.addi %parallel_loop3A_143, %parallel_loop3A_182 : i32
      %parallel_loop3A_184 = arith.index_cast %parallel_loop3A_183 : i32 to index
      %parallel_loop3A_185 = tpu.vector_load %arg13[%parallel_loop3A_184] {strides = array<i32>} : memref<8192xf32, #tpu.memory_space<vmem>>, vector<16xf32>,
      tpu.vector_store %arg13[%parallel_loop3A_184], %parallel_loop3A_181 {strides = array<i32>} : memref<8192xf32, #tpu.memory_space<vmem>>, vector<16xf32>,
      %parallel_loop3A_186 = vector.broadcast %parallel_loop3A_141 : i32 to vector<16xi32>
      %parallel_loop3A_187 = arith.addi %get3A_9, %parallel_loop3A_186 : vector<16xi32>
      %parallel_loop3A_188 = tpu.vector_load_idx %arg7[%parallel_loop3A_187] : memref<16384xf32, #tpu.memory_space<vmem>>[vector<16xi32>], vector<16xf32>,
      %parallel_loop3A_189 = tpu.vector_load_idx %arg9[%parallel_loop3A_187] : memref<16384xf32, #tpu.memory_space<vmem>>[vector<16xi32>], vector<16xf32>,
      %parallel_loop3A_190 = arith.subf %parallel_loop3A_188, %parallel_loop3A_189 : vector<16xf32>
      %parallel_loop3A_191 = arith.constant 48 : i32
      %parallel_loop3A_192 = arith.addi %parallel_loop3A_143, %parallel_loop3A_191 : i32
      %parallel_loop3A_193 = arith.index_cast %parallel_loop3A_192 : i32 to index
      %parallel_loop3A_194 = tpu.vector_load %arg11[%parallel_loop3A_193] {strides = array<i32>} : memref<8192xf32, #tpu.memory_space<vmem>>, vector<16xf32>,
      tpu.vector_store %arg11[%parallel_loop3A_193], %parallel_loop3A_190 {strides = array<i32>} : memref<8192xf32, #tpu.memory_space<vmem>>, vector<16xf32>,
      %parallel_loop3A_195 = arith.addf %parallel_loop3A_188, %parallel_loop3A_189 : vector<16xf32>
      %parallel_loop3A_196 = arith.constant 48 : i32
      %parallel_loop3A_197 = arith.addi %parallel_loop3A_143, %parallel_loop3A_196 : i32
      %parallel_loop3A_198 = arith.index_cast %parallel_loop3A_197 : i32 to index
      %parallel_loop3A_199 = tpu.vector_load %arg13[%parallel_loop3A_198] {strides = array<i32>} : memref<8192xf32, #tpu.memory_space<vmem>>, vector<16xf32>,
      tpu.vector_store %arg13[%parallel_loop3A_198], %parallel_loop3A_195 {strides = array<i32>} : memref<8192xf32, #tpu.memory_space<vmem>>, vector<16xf32>,
    } {sc.loop_unroll_factor = 4 : i64, sc.parallel_access}
    %add3A_96 = arith.constant 256 : i32
    %add3A_97 = arith.addi %mul3A_2, %add3A_96 : i32
    %mul3A_98 = arith.constant 64 : i32
    %mul3A_99 = arith.muli %add3A_97, %mul3A_98 : i32
    %dma_start3A_100 = tpu.memref_slice %arg5[%mul3A_99] : memref<2097152xf32, #tpu.memory_space<hbm>> -> memref<8192xf32, #tpu.memory_space<hbm>>
    %dma_start3A_101 = tpu.memref_slice %arg5[%mul3A_99] : memref<2097152xf32, #tpu.memory_space<hbm>> -> memref<8192xf32, #tpu.memory_space<hbm>>
    tpu.enqueue_dma source(%arg11 : memref<8192xf32, #tpu.memory_space<vmem>>) target(%dma_start3A_101 : memref<8192xf32, #tpu.memory_space<hbm>>) target_semaphore(%arg17 : memref<!tpu.dma_semaphore, #tpu.memory_space<semaphore_mem>>)
    %mul3A_102 = arith.constant 64 : i32
    %mul3A_103 = arith.muli %add3A_97, %mul3A_102 : i32
    %add3A_104 = arith.constant 1048576 : i32
    %add3A_105 = arith.addi %add3A_104, %mul3A_103 : i32
    %dma_start3A_106 = tpu.memref_slice %arg5[%add3A_105] : memref<2097152xf32, #tpu.memory_space<hbm>> -> memref<8192xf32, #tpu.memory_space<hbm>>
    %dma_start3A_107 = tpu.memref_slice %arg5[%add3A_105] : memref<2097152xf32, #tpu.memory_space<hbm>> -> memref<8192xf32, #tpu.memory_space<hbm>>
    tpu.enqueue_dma source(%arg13 : memref<8192xf32, #tpu.memory_space<vmem>>) target(%dma_start3A_107 : memref<8192xf32, #tpu.memory_space<hbm>>) target_semaphore(%arg17 : memref<!tpu.dma_semaphore, #tpu.memory_space<semaphore_mem>>)
    %dma_wait3A_108 = tpu.memref_slice %arg2[%mul3A_78] : memref<2097152xf32, #tpu.memory_space<hbm>> -> memref<16384xf32, #tpu.memory_space<hbm>>
    %dma_wait3A_109 = tpu.memref_slice %arg2[%mul3A_78] : memref<2097152xf32, #tpu.memory_space<hbm>> -> memref<16384xf32, #tpu.memory_space<hbm>>
    tpu.wait_dma2 semaphore(%arg16 : memref<!tpu.dma_semaphore, #tpu.memory_space<semaphore_mem>>) src(%dma_wait3A_109 : memref<16384xf32, #tpu.memory_space<hbm>>) dst(%arg8 : memref<16384xf32, #tpu.memory_space<vmem>>)
    %dma_wait3A_110 = tpu.memref_slice %arg3[%mul3A_82] : memref<2097152xf32, #tpu.memory_space<hbm>> -> memref<16384xf32, #tpu.memory_space<hbm>>
    %dma_wait3A_111 = tpu.memref_slice %arg3[%mul3A_82] : memref<2097152xf32, #tpu.memory_space<hbm>> -> memref<16384xf32, #tpu.memory_space<hbm>>
    tpu.wait_dma2 semaphore(%arg16 : memref<!tpu.dma_semaphore, #tpu.memory_space<semaphore_mem>>) src(%dma_wait3A_111 : memref<16384xf32, #tpu.memory_space<hbm>>) dst(%arg10 : memref<16384xf32, #tpu.memory_space<vmem>>)
    %dma_wait3A_112 = tpu.memref_slice %arg5[%mul3A_66] : memref<2097152xf32, #tpu.memory_space<hbm>> -> memref<8192xf32, #tpu.memory_space<hbm>>
    %dma_wait3A_113 = tpu.memref_slice %arg5[%mul3A_66] : memref<2097152xf32, #tpu.memory_space<hbm>> -> memref<8192xf32, #tpu.memory_space<hbm>>
    tpu.wait_dma2 semaphore(%arg18 : memref<!tpu.dma_semaphore, #tpu.memory_space<semaphore_mem>>) src(%arg12 : memref<8192xf32, #tpu.memory_space<vmem>>) dst(%dma_wait3A_113 : memref<8192xf32, #tpu.memory_space<hbm>>)
    %dma_wait3A_114 = tpu.memref_slice %arg5[%add3A_72] : memref<2097152xf32, #tpu.memory_space<hbm>> -> memref<8192xf32, #tpu.memory_space<hbm>>
    %dma_wait3A_115 = tpu.memref_slice %arg5[%add3A_72] : memref<2097152xf32, #tpu.memory_space<hbm>> -> memref<8192xf32, #tpu.memory_space<hbm>>
    tpu.wait_dma2 semaphore(%arg18 : memref<!tpu.dma_semaphore, #tpu.memory_space<semaphore_mem>>) src(%arg14 : memref<8192xf32, #tpu.memory_space<vmem>>) dst(%dma_wait3A_115 : memref<8192xf32, #tpu.memory_space<hbm>>)
    %parallel_loop3A_116 = arith.constant 0 : i32
    %parallel_loop3A_117 = arith.constant 128 : i32
    %parallel_loop3A_118 = arith.constant 1 : i32
    scf.for %parallel_loop3A_139 = %parallel_loop3A_116 to %parallel_loop3A_117 step %parallel_loop3A_118  : i32 {
      %parallel_loop3A_140 = arith.constant 128 : i32
      %parallel_loop3A_141 = arith.muli %parallel_loop3A_139, %parallel_loop3A_140 : i32
      %parallel_loop3A_142 = arith.constant 64 : i32
      %parallel_loop3A_143 = arith.muli %parallel_loop3A_139, %parallel_loop3A_142 : i32
      %parallel_loop3A_144 = vector.broadcast %parallel_loop3A_141 : i32 to vector<16xi32>
      %parallel_loop3A_145 = arith.addi %get3A_3, %parallel_loop3A_144 : vector<16xi32>
      %parallel_loop3A_146 = tpu.vector_load_idx %arg8[%parallel_loop3A_145] : memref<16384xf32, #tpu.memory_space<vmem>>[vector<16xi32>], vector<16xf32>,
      %parallel_loop3A_147 = tpu.vector_load_idx %arg10[%parallel_loop3A_145] : memref<16384xf32, #tpu.memory_space<vmem>>[vector<16xi32>], vector<16xf32>,
      %parallel_loop3A_148 = arith.subf %parallel_loop3A_146, %parallel_loop3A_147 : vector<16xf32>
      %parallel_loop3A_149 = arith.constant 0 : i32
      %parallel_loop3A_150 = arith.addi %parallel_loop3A_143, %parallel_loop3A_149 : i32
      %parallel_loop3A_151 = arith.index_cast %parallel_loop3A_150 : i32 to index
      %parallel_loop3A_152 = tpu.vector_load %arg12[%parallel_loop3A_151] {strides = array<i32>} : memref<8192xf32, #tpu.memory_space<vmem>>, vector<16xf32>,
      tpu.vector_store %arg12[%parallel_loop3A_151], %parallel_loop3A_148 {strides = array<i32>} : memref<8192xf32, #tpu.memory_space<vmem>>, vector<16xf32>,
      %parallel_loop3A_153 = arith.addf %parallel_loop3A_146, %parallel_loop3A_147 : vector<16xf32>
      %parallel_loop3A_154 = arith.constant 0 : i32
      %parallel_loop3A_155 = arith.addi %parallel_loop3A_143, %parallel_loop3A_154 : i32
      %parallel_loop3A_156 = arith.index_cast %parallel_loop3A_155 : i32 to index
      %parallel_loop3A_157 = tpu.vector_load %arg14[%parallel_loop3A_156] {strides = array<i32>} : memref<8192xf32, #tpu.memory_space<vmem>>, vector<16xf32>,
      tpu.vector_store %arg14[%parallel_loop3A_156], %parallel_loop3A_153 {strides = array<i32>} : memref<8192xf32, #tpu.memory_space<vmem>>, vector<16xf32>,
      %parallel_loop3A_158 = vector.broadcast %parallel_loop3A_141 : i32 to vector<16xi32>
      %parallel_loop3A_159 = arith.addi %get3A_5, %parallel_loop3A_158 : vector<16xi32>
      %parallel_loop3A_160 = tpu.vector_load_idx %arg8[%parallel_loop3A_159] : memref<16384xf32, #tpu.memory_space<vmem>>[vector<16xi32>], vector<16xf32>,
      %parallel_loop3A_161 = tpu.vector_load_idx %arg10[%parallel_loop3A_159] : memref<16384xf32, #tpu.memory_space<vmem>>[vector<16xi32>], vector<16xf32>,
      %parallel_loop3A_162 = arith.subf %parallel_loop3A_160, %parallel_loop3A_161 : vector<16xf32>
      %parallel_loop3A_163 = arith.constant 16 : i32
      %parallel_loop3A_164 = arith.addi %parallel_loop3A_143, %parallel_loop3A_163 : i32
      %parallel_loop3A_165 = arith.index_cast %parallel_loop3A_164 : i32 to index
      %parallel_loop3A_166 = tpu.vector_load %arg12[%parallel_loop3A_165] {strides = array<i32>} : memref<8192xf32, #tpu.memory_space<vmem>>, vector<16xf32>,
      tpu.vector_store %arg12[%parallel_loop3A_165], %parallel_loop3A_162 {strides = array<i32>} : memref<8192xf32, #tpu.memory_space<vmem>>, vector<16xf32>,
      %parallel_loop3A_167 = arith.addf %parallel_loop3A_160, %parallel_loop3A_161 : vector<16xf32>
      %parallel_loop3A_168 = arith.constant 16 : i32
      %parallel_loop3A_169 = arith.addi %parallel_loop3A_143, %parallel_loop3A_168 : i32
      %parallel_loop3A_170 = arith.index_cast %parallel_loop3A_169 : i32 to index
      %parallel_loop3A_171 = tpu.vector_load %arg14[%parallel_loop3A_170] {strides = array<i32>} : memref<8192xf32, #tpu.memory_space<vmem>>, vector<16xf32>,
      tpu.vector_store %arg14[%parallel_loop3A_170], %parallel_loop3A_167 {strides = array<i32>} : memref<8192xf32, #tpu.memory_space<vmem>>, vector<16xf32>,
      %parallel_loop3A_172 = vector.broadcast %parallel_loop3A_141 : i32 to vector<16xi32>
      %parallel_loop3A_173 = arith.addi %get3A_7, %parallel_loop3A_172 : vector<16xi32>
      %parallel_loop3A_174 = tpu.vector_load_idx %arg8[%parallel_loop3A_173] : memref<16384xf32, #tpu.memory_space<vmem>>[vector<16xi32>], vector<16xf32>,
      %parallel_loop3A_175 = tpu.vector_load_idx %arg10[%parallel_loop3A_173] : memref<16384xf32, #tpu.memory_space<vmem>>[vector<16xi32>], vector<16xf32>,
      %parallel_loop3A_176 = arith.subf %parallel_loop3A_174, %parallel_loop3A_175 : vector<16xf32>
      %parallel_loop3A_177 = arith.constant 32 : i32
      %parallel_loop3A_178 = arith.addi %parallel_loop3A_143, %parallel_loop3A_177 : i32
      %parallel_loop3A_179 = arith.index_cast %parallel_loop3A_178 : i32 to index
      %parallel_loop3A_180 = tpu.vector_load %arg12[%parallel_loop3A_179] {strides = array<i32>} : memref<8192xf32, #tpu.memory_space<vmem>>, vector<16xf32>,
      tpu.vector_store %arg12[%parallel_loop3A_179], %parallel_loop3A_176 {strides = array<i32>} : memref<8192xf32, #tpu.memory_space<vmem>>, vector<16xf32>,
      %parallel_loop3A_181 = arith.addf %parallel_loop3A_174, %parallel_loop3A_175 : vector<16xf32>
      %parallel_loop3A_182 = arith.constant 32 : i32
      %parallel_loop3A_183 = arith.addi %parallel_loop3A_143, %parallel_loop3A_182 : i32
      %parallel_loop3A_184 = arith.index_cast %parallel_loop3A_183 : i32 to index
      %parallel_loop3A_185 = tpu.vector_load %arg14[%parallel_loop3A_184] {strides = array<i32>} : memref<8192xf32, #tpu.memory_space<vmem>>, vector<16xf32>,
      tpu.vector_store %arg14[%parallel_loop3A_184], %parallel_loop3A_181 {strides = array<i32>} : memref<8192xf32, #tpu.memory_space<vmem>>, vector<16xf32>,
      %parallel_loop3A_186 = vector.broadcast %parallel_loop3A_141 : i32 to vector<16xi32>
      %parallel_loop3A_187 = arith.addi %get3A_9, %parallel_loop3A_186 : vector<16xi32>
      %parallel_loop3A_188 = tpu.vector_load_idx %arg8[%parallel_loop3A_187] : memref<16384xf32, #tpu.memory_space<vmem>>[vector<16xi32>], vector<16xf32>,
      %parallel_loop3A_189 = tpu.vector_load_idx %arg10[%parallel_loop3A_187] : memref<16384xf32, #tpu.memory_space<vmem>>[vector<16xi32>], vector<16xf32>,
      %parallel_loop3A_190 = arith.subf %parallel_loop3A_188, %parallel_loop3A_189 : vector<16xf32>
      %parallel_loop3A_191 = arith.constant 48 : i32
      %parallel_loop3A_192 = arith.addi %parallel_loop3A_143, %parallel_loop3A_191 : i32
      %parallel_loop3A_193 = arith.index_cast %parallel_loop3A_192 : i32 to index
      %parallel_loop3A_194 = tpu.vector_load %arg12[%parallel_loop3A_193] {strides = array<i32>} : memref<8192xf32, #tpu.memory_space<vmem>>, vector<16xf32>,
      tpu.vector_store %arg12[%parallel_loop3A_193], %parallel_loop3A_190 {strides = array<i32>} : memref<8192xf32, #tpu.memory_space<vmem>>, vector<16xf32>,
      %parallel_loop3A_195 = arith.addf %parallel_loop3A_188, %parallel_loop3A_189 : vector<16xf32>
      %parallel_loop3A_196 = arith.constant 48 : i32
      %parallel_loop3A_197 = arith.addi %parallel_loop3A_143, %parallel_loop3A_196 : i32
      %parallel_loop3A_198 = arith.index_cast %parallel_loop3A_197 : i32 to index
      %parallel_loop3A_199 = tpu.vector_load %arg14[%parallel_loop3A_198] {strides = array<i32>} : memref<8192xf32, #tpu.memory_space<vmem>>, vector<16xf32>,
      tpu.vector_store %arg14[%parallel_loop3A_198], %parallel_loop3A_195 {strides = array<i32>} : memref<8192xf32, #tpu.memory_space<vmem>>, vector<16xf32>,
    } {sc.loop_unroll_factor = 4 : i64, sc.parallel_access}
    %add3A_119 = arith.constant 384 : i32
    %add3A_120 = arith.addi %mul3A_2, %add3A_119 : i32
    %mul3A_121 = arith.constant 64 : i32
    %mul3A_122 = arith.muli %add3A_120, %mul3A_121 : i32
    %dma_start3A_123 = tpu.memref_slice %arg5[%mul3A_122] : memref<2097152xf32, #tpu.memory_space<hbm>> -> memref<8192xf32, #tpu.memory_space<hbm>>
    %dma_start3A_124 = tpu.memref_slice %arg5[%mul3A_122] : memref<2097152xf32, #tpu.memory_space<hbm>> -> memref<8192xf32, #tpu.memory_space<hbm>>
    tpu.enqueue_dma source(%arg12 : memref<8192xf32, #tpu.memory_space<vmem>>) target(%dma_start3A_124 : memref<8192xf32, #tpu.memory_space<hbm>>) target_semaphore(%arg18 : memref<!tpu.dma_semaphore, #tpu.memory_space<semaphore_mem>>)
    %mul3A_125 = arith.constant 64 : i32
    %mul3A_126 = arith.muli %add3A_120, %mul3A_125 : i32
    %add3A_127 = arith.constant 1048576 : i32
    %add3A_128 = arith.addi %add3A_127, %mul3A_126 : i32
    %dma_start3A_129 = tpu.memref_slice %arg5[%add3A_128] : memref<2097152xf32, #tpu.memory_space<hbm>> -> memref<8192xf32, #tpu.memory_space<hbm>>
    %dma_start3A_130 = tpu.memref_slice %arg5[%add3A_128] : memref<2097152xf32, #tpu.memory_space<hbm>> -> memref<8192xf32, #tpu.memory_space<hbm>>
    tpu.enqueue_dma source(%arg14 : memref<8192xf32, #tpu.memory_space<vmem>>) target(%dma_start3A_130 : memref<8192xf32, #tpu.memory_space<hbm>>) target_semaphore(%arg18 : memref<!tpu.dma_semaphore, #tpu.memory_space<semaphore_mem>>)
    %dma_wait3A_131 = tpu.memref_slice %arg5[%mul3A_99] : memref<2097152xf32, #tpu.memory_space<hbm>> -> memref<8192xf32, #tpu.memory_space<hbm>>
    %dma_wait3A_132 = tpu.memref_slice %arg5[%mul3A_99] : memref<2097152xf32, #tpu.memory_space<hbm>> -> memref<8192xf32, #tpu.memory_space<hbm>>
    tpu.wait_dma2 semaphore(%arg17 : memref<!tpu.dma_semaphore, #tpu.memory_space<semaphore_mem>>) src(%arg11 : memref<8192xf32, #tpu.memory_space<vmem>>) dst(%dma_wait3A_132 : memref<8192xf32, #tpu.memory_space<hbm>>)
    %dma_wait3A_133 = tpu.memref_slice %arg5[%add3A_105] : memref<2097152xf32, #tpu.memory_space<hbm>> -> memref<8192xf32, #tpu.memory_space<hbm>>
    %dma_wait3A_134 = tpu.memref_slice %arg5[%add3A_105] : memref<2097152xf32, #tpu.memory_space<hbm>> -> memref<8192xf32, #tpu.memory_space<hbm>>
    tpu.wait_dma2 semaphore(%arg17 : memref<!tpu.dma_semaphore, #tpu.memory_space<semaphore_mem>>) src(%arg13 : memref<8192xf32, #tpu.memory_space<vmem>>) dst(%dma_wait3A_134 : memref<8192xf32, #tpu.memory_space<hbm>>)
    %dma_wait3A_135 = tpu.memref_slice %arg5[%mul3A_122] : memref<2097152xf32, #tpu.memory_space<hbm>> -> memref<8192xf32, #tpu.memory_space<hbm>>
    %dma_wait3A_136 = tpu.memref_slice %arg5[%mul3A_122] : memref<2097152xf32, #tpu.memory_space<hbm>> -> memref<8192xf32, #tpu.memory_space<hbm>>
    tpu.wait_dma2 semaphore(%arg18 : memref<!tpu.dma_semaphore, #tpu.memory_space<semaphore_mem>>) src(%arg12 : memref<8192xf32, #tpu.memory_space<vmem>>) dst(%dma_wait3A_136 : memref<8192xf32, #tpu.memory_space<hbm>>)
    %dma_wait3A_137 = tpu.memref_slice %arg5[%add3A_128] : memref<2097152xf32, #tpu.memory_space<hbm>> -> memref<8192xf32, #tpu.memory_space<hbm>>
    %dma_wait3A_138 = tpu.memref_slice %arg5[%add3A_128] : memref<2097152xf32, #tpu.memory_space<hbm>> -> memref<8192xf32, #tpu.memory_space<hbm>>
    tpu.wait_dma2 semaphore(%arg18 : memref<!tpu.dma_semaphore, #tpu.memory_space<semaphore_mem>>) src(%arg14 : memref<8192xf32, #tpu.memory_space<vmem>>) dst(%dma_wait3A_138 : memref<8192xf32, #tpu.memory_space<hbm>>)
    return
  }
}

</mosaic_0001>

<sc_bundles>
// kernel: kernel.3.cloned.1.call-start
scs
__scs_entry_jumppad:
0x0: {  	(pc) =	sbr.rel $0x88, $3  }
0x1: {  	(tag) =	ssettag $0x0;
	lr =	simm.s32 $0x1  }
0x2: {  	[smem:$0x3F9E] =	sst lr;
	_ =	strace $0xD0000000  }
0x3: {  	_ = 	snop  }
0x4: {  	_ = 	snop  }
0x5: {  	_ = 	snop  }
0x6: {  	_ = 	snop  }
0x7: {  	_ = 	snop  }
__scs_overlays_trampoline_lowered:
0x8: {  	[smem:$0x3FAD] =	sst s0  }
0x9: {  	[smem:$0x3FAE] =	sst s1  }
0xa: {  	[smem:$0x3FAF] =	sst s2  }
0xb: {  	[smem:$0x3FB0] =	sst s3  }
0xc: {  	[smem:$0x3FB1] =	sst s4  }
0xd: {  	[smem:$0x3FB2] =	sst s5  }
0xe: {  	[smem:$0x3FB3] =	sst s6  }
0xf: {  	[smem:$0x3FB4] =	sst s7  }
0x10: {  	[smem:$0x3FB5] =	sst s8  }
0x11: {  	[smem:$0x3FB6] =	sst s9;
	s0 =	simm.s32 @!p0 $0x0  }
0x12: {  	s1 =	sld [smem:$0x3F9C];
	s0 =	simm.s32 @p0 $0x1  }
0x13: {  	[smem:$0x3FB7] =	sst s0;
	s0 =	simm.s32 @!p1 $0x0  }
0x14: {  	s2 =	sld [smem:$0x3F9B];
	s0 =	simm.s32 @p1 $0x1  }
0x15: {  	[smem:$0x3FB8] =	sst s0;
	s0 =	simm.s32 @!p2 $0x0  }
0x16: {  	s3 =	sld [smem:$0x3FDB];
	s0 =	simm.s32 @p2 $0x1  }
0x17: {  	s4 =	simm.s32 $0x1BF5;
	[smem:$0x3FBA] =	sst s0  }
0x18: {  	s0 =	sld [smem:$0x3F9D];
	_ =	swait.ge [sflag:s4], $0x0  }
0x19: {  	s7 =	sld [smem:$0x3F9E]  }
0x1a: {  	s8 =	sadd.s32 $0xFFFFE003, lr  }
0x1b: {  	s9 =	sadd.s32 $0xFFFFFEF7, lr;
	s5 =	simm.s32 $0xFFFFFFFF;
	p2 =	slt.u32 s8, $0xFFFFF086  }
0x1c: {  	p1 =	slt.u32 s9, $0xF7A;
	s5 =	simm.s32 @!p2 $0x0  }
0x1d: {  	s5 =	simm.s32 @p1 $0x1;
	p0 =	seq.s32 s7, s2  }
0x1e: {  	s7 =	smul.u32 @!p0 $0xF7A, s2;
	p2 =	seq.s32 @!p0 s5, $0x0  }
0x1f: {  	s9 =	smul.u32 $0xF7A, s1;
	s8 =	simm.s32 @!p0 $0x1BF5;
	p2 =	por !p2, p0  }
0x20: {  	[sflag:s8] =	ssyncset.s32 @!p0 $0xFFFFF086;
	s6 =	sadd.s32 @!p0 s3, s7;
	s7 =	simm.s32 @!p0 $0x108  }
0x21: {  	s3 =	sadd.s32 s3, s9;
	s6 =	sadd.s32 @!p0 $0x88, s6;
	s7 =	simm.s32 @p2 $0x1082  }
0x22: {  	[simem:s7], [sflag:s8] =	dma.local @!p0 [hbm:s6], $0xF7A  }
0x23: {  	s9 =	sor.u32 $0xD0000000, s2;
	s6 =	simm.s32 $0x108;
	_ =	swait.ge @!p0 [sflag:s8], $0x0  }
0x24: {  	s3 =	sadd.s32 $0x88, s3;
	s6 =	simm.s32 @!p1 $0x1082;
	[sflag:s4] =	ssyncset.s32 $0xFFFFF086  }
0x25: {  	[simem:s6], [sflag:s4] =	dma.local [hbm:s3], $0xF7A  }
0x26: {  	[smem:$0x3F9E] =	sst s1;
	(tag) =	ssettag s2;
	_ =	strace s9  }
0x27: {  	s1 =	sld [smem:$0x3FAE]  }
0x28: {  	s2 =	sld [smem:$0x3FAF]  }
0x29: {  	s4 =	sld [smem:$0x3FB1]  }
0x2a: {  	p0 =	seq.s32 s5, $0x0;
	s5 =	sld [smem:$0x3FB2]  }
0x2b: {  	s6 =	sld [smem:$0x3FB3]  }
0x2c: {  	s7 =	sld [smem:$0x3FB4]  }
0x2d: {  	s3 =	simm.s32 $0x108;
	s8 =	sld [smem:$0x3FB5]  }
0x2e: {  	s3 =	simm.s32 @!p0 $0x1082;
	s9 =	sld [smem:$0x3FB6]  }
0x2f: {  	lr =	sadd.s32 s0, s3;
	s0 =	sld [smem:$0x3FAD]  }
0x30: {  	s3 =	sld [smem:$0x3FB0]  }
0x31: {  	[smem:$0x3FB9] =	sst s10  }
0x32: {  	s10 =	sld [smem:$0x3FB7];
	_ =	sdelay $0x3  }
0x33: {  	p0 =	seq.s32 s10, $0x1;
	s10 =	sld [smem:$0x3FB9];
	_ =	sdelay $0x3  }
0x34: {  	[smem:$0x3FB9] =	sst s10  }
0x35: {  	s10 =	sld [smem:$0x3FB8];
	_ =	sdelay $0x3  }
0x36: {  	p1 =	seq.s32 s10, $0x1;
	s10 =	sld [smem:$0x3FB9];
	_ =	sdelay $0x3  }
0x37: {  	[smem:$0x3FB9] =	sst s10  }
0x38: {  	s10 =	sld [smem:$0x3FBA]  }
0x39: {  	_ = 	snop;
	(pc) =	sbr.ind lr, $3  }
0x3a: {  	_ = 	snop  }
0x3b: {  	_ = 	snop  }
0x3c: {  	p2 =	seq.s32 s10, $0x1;
	s10 =	sld [smem:$0x3FB9]  }
0x3d: {  	_ =	shalt  }
0x3e: {  	_ =	shalt  }
0x3f: {  	_ =	shalt  }
0x40: {  	_ =	shalt  }
0x41: {  	_ =	shalt  }
0x42: {  	_ =	shalt  }
0x43: {  	_ =	shalt  }
0x44: {  	_ =	shalt  }
0x45: {  	_ =	shalt  }
0x46: {  	_ =	shalt  }
0x47: {  	_ =	shalt  }
0x48: {  	_ =	shalt  }
0x49: {  	_ =	shalt  }
0x4a: {  	_ =	shalt  }
0x4b: {  	_ =	shalt  }
0x4c: {  	_ =	shalt  }
0x4d: {  	_ =	shalt  }
0x4e: {  	_ =	shalt  }
0x4f: {  	_ =	shalt  }
0x50: {  	_ =	shalt  }
0x51: {  	_ =	shalt  }
0x52: {  	_ =	shalt  }
0x53: {  	_ =	shalt  }
0x54: {  	_ =	shalt  }
0x55: {  	_ =	shalt  }
0x56: {  	_ =	shalt  }
0x57: {  	_ =	shalt  }
0x58: {  	_ =	shalt  }
0x59: {  	_ =	shalt  }
0x5a: {  	_ =	shalt  }
0x5b: {  	_ =	shalt  }
0x5c: {  	_ =	shalt  }
0x5d: {  	_ =	shalt  }
0x5e: {  	_ =	shalt  }
0x5f: {  	_ =	shalt  }
0x60: {  	_ =	shalt  }
0x61: {  	_ =	shalt  }
0x62: {  	_ =	shalt  }
0x63: {  	_ =	shalt  }
0x64: {  	_ =	shalt  }
0x65: {  	_ =	shalt  }
0x66: {  	_ =	shalt  }
0x67: {  	_ =	shalt  }
0x68: {  	_ =	shalt  }
0x69: {  	_ =	shalt  }
0x6a: {  	_ =	shalt  }
0x6b: {  	_ =	shalt  }
0x6c: {  	_ =	shalt  }
0x6d: {  	_ =	shalt  }
0x6e: {  	_ =	shalt  }
0x6f: {  	_ =	shalt  }
0x70: {  	_ =	shalt  }
0x71: {  	_ =	shalt  }
0x72: {  	_ =	shalt  }
0x73: {  	_ =	shalt  }
0x74: {  	_ =	shalt  }
0x75: {  	_ =	shalt  }
0x76: {  	_ =	shalt  }
0x77: {  	_ =	shalt  }
0x78: {  	_ =	shalt  }
0x79: {  	_ =	shalt  }
0x7a: {  	_ =	shalt  }
0x7b: {  	_ =	shalt  }
0x7c: {  	_ =	shalt  }
0x7d: {  	_ =	shalt  }
0x7e: {  	_ =	shalt  }
0x7f: {  	_ =	shalt  }
0x80: {  	_ =	shalt  }
0x81: {  	_ =	shalt  }
0x82: {  	_ =	shalt  }
0x83: {  	_ =	shalt  }
0x84: {  	_ =	shalt  }
0x85: {  	_ =	shalt  }
0x86: {  	_ =	shalt  }
0x87: {  	_ =	shalt  }
.Lfunc_end0:
.L_simem_size_0:
called_computation_lowered:
.L_overlay_start_0:
0x88: {  	s2 =	sld [smem:$0x3FD9]  }
0x89: {  	s3 =	sld [smem:$0x3FFE];
	_ =	sdelay $0x1  }
0x8a: {  	s1 =	srdreg.scid  }
0x8b: {  	s0 =	sand.u32 $0x1, s1  }
0x8c: {  	s18 =	sshll.u32 s0, $0xA;
	s2 =	sadd.s32 s3, s2  }
0x8d: {  	s2 =	sadd.s32 s2, s18  }
0x8e: {  	[smem:$0x3FC5] =	sst s2  }
0x8f: {  	_ = 	snop  }
0x90: {  	s2 =	sld [smem:$0x3FC9]  }
0x91: {  	s19 =	sld [smem:$0x3FC8]  }
0x92: {  	s4 =	sld [smem:$0x3FC7]  }
0x93: {  	s5 =	sld [smem:$0x3FD0];
	(tm) =	ssettm $0x1  }
0x94: {  	s6 =	sld [smem:$0x3FFB];
	_ =	sdelay $0x3  }
0x95: {  	_ =	strace s6  }
0x96: {  	s6 =	sld [smem:$0x3FFC];
	_ =	sdelay $0x3  }
0x97: {  	_ =	strace s6  }
0x98: {  	s6 =	sld [smem:$0x3FFD];
	_ =	sdelay $0x3  }
0x99: {  	_ =	strace s6  }
0x9a: {  	_ =	strace $0x8FFFFFFF  }
0x9b: {  	s20 =	sld [smem:$0x3FDB];
	_ =	sdelay $0x1  }
0x9c: {  	s7 =	simm.s32 $_scs_section_size  }
0x9d: {  	s8 =	simm.s32 $_size__tile_overlayer_lowered;
	s9 =	simm.s32 $_tile_overlayer_lowered  }
0x9e: {  	s23 =	simm.s32 $0x1BFF;
	s22 =	sshll.u32 s9, $0x1;
	s6 =	sadd.s32 s7, s20  }
0x9f: {  	s10 =	simm.s32 $0x0;
	s21 =	sshll.u32 s8, $0x1;
	s8 =	sadd.s32 s22, s6  }
0xa0: {  	[timem:s10], [sflag:s23] =	dma.local [hbm:s8], s21  }
0xa1: {  	_ =	swait.ge [sflag:s23], s21  }
0xa2: {  	s7 =	ssub.s32 $0x0, s21;
	[sflag:s23] =	ssyncset.done $0x0  }
0xa3: {  	[sflag:s23] =	ssyncadd.s32 s7;
	_ =	sdelay $0x1  }
0xa4: {  	s24 =	simm.s32 $0x1B8B  }
0xa5: {  	_ =	swait.ge [sflag:s24], $0x1  }
0xa6: {  	[sflag:s24] =	ssyncset.done $0x0  }
0xa7: {  	s25 =	simm.s32 $0x1B8E;
	[sflag:s24] =	ssyncadd.s32 $0xFFFFFFFF  }
0xa8: {  	s26 =	simm.s32 $execute0_lowered;
	[smem:$0x3FD2] =	sst s25  }
0xa9: {  	s7 =	sshll.u32 s26, $0x1;
	_ =	strace $0x80000046;
	[dreg:$0x1] =	wrdreg $0xFFFFFFFF  }
0xaa: {  	s28 =	simm.s32 $_size_execute0_lowered;
	s6 =	sadd.s32 s6, s7;
	[dreg:$0x0] =	wrdreg $0x0  }
0xab: {  	s7 =	sshll.u32 s28, $0x1;
	[dreg:$0x2] =	wrdreg s6  }
0xac: {  	[dreg:$0x3] =	wrdreg s7  }
0xad: {  	[dreg:$0x4] =	wrdreg $0xC0  }
0xae: {  	_ =	task [dreg:s10], $0x5FFFF  }
0xaf: {  	[dreg:$0x1] =	wrdreg $0xFFFFFFFF  }
0xb0: {  	[dreg:$0x0] =	wrdreg $0x60  }
0xb1: {  	[dreg:$0x2] =	wrdreg s2  }
0xb2: {  	[dreg:$0x3] =	wrdreg s19  }
0xb3: {  	[dreg:$0x4] =	wrdreg s4  }
0xb4: {  	[dreg:$0x5] =	wrdreg s5  }
0xb5: {  	[dreg:$0x6] =	wrdreg $0x9  }
0xb6: {  	_ =	task.clear_ibuf [dreg:s10], $0x7FFFF;
	_ =	strace $0x90000046  }
0xb7: {  	s29 =	simm.s32 $0x9;
	_ =	strace $0x80000048  }
0xb8: {  	_ =	swait.ge [sflag:s29], $0x1  }
0xb9: {  	[sflag:s29] =	ssyncadd.s32 $0xFFFFFFFF  }
0xba: {  	_ =	strace $0x90000048  }
0xbb: {  	_ =	sfence  }
0xbc: {  	s30 =	sld [smem:$0x0];
	_ =	sdelay $0x2  }
0xbd: {  	s31 =	sshll.u32 s1, $0xD;
	s1 =	sshrl.u32 s1, $0x2  }
0xbe: {  	s3 =	sand.u32 $0x4000, s31;
	s1 =	sadd.s32 s1, s30  }
0xbf: {  	s0 =	sor.u32 s3, s0;
	s1 =	sshll.u32 s1, $0x11  }
0xc0: {  	s0 =	sor.u32 s1, s0  }
0xc1: {  	s0 =	sadd.s32 $0x8F2B, s0  }
0xc2: {  	[sflag:s0] =	ssyncadd.remote.s32 $0x1  }
0xc3: {  	_ =	sfence.sel $0xFFFF  }
0xc4: {  	[dreg:$0x0] =	wrdreg $0xFFFFFFFF;
	(pc) =	sbr.abs _section_cstart, $3  }
0xc5: {  	[dreg:$0x1] =	wrdreg $0xFFFFFFFF  }
0xc6: {  	_ =	task.clear_ibuf [dreg:s10], $0x2FFFF;
	_ =	strace $0x9FFFFFFF  }
0xc7: {  	(tm) =	ssettm $0x7FFFFFFF  }
tec
execute0_lowered:
.L_overlay_start_1:
0x0: {  	(tag) =	ssettag $0x1  }
0x1: {  	s0 =	rddreg [dreg:$0x0]  }
0x2: {  	s1 =	rddreg [dreg:$0x1]  }
0x3: {  	s2 =	rddreg [dreg:$0x3]  }
0x4: {  	s3 =	srdreg.scid;
	s4 =	stileid.u32  }
0x5: {  	s19 =	simm.s32 $0x0;
	s3 =	sand.u32 $0x1, s3;
	s4 =	sshll.u32 s4, $0x1  }
0x6: {  	[smem:$0x7FF] =	sst s19;
	s17 =	sadd.s32 $0x20000, s2;
	s4 =	sor.u32 s3, s4  }
0x7: {  	_ =	strace $0x80000047;
	s3 =	ssub.s32 $0x2, s3;
	s7 =	sshll.u32 s4, $0xD  }
0x8: {  	s5 =	sshll.u32 s4, $0x9;
	s6 =	sshrl.u32 s3, $0x1;
	s14 =	sadd.s32 s0, s7  }
0x9: {  	s4 =	sshll.u32 s4, $0xC;
	s7 =	sadd.s32 s1, s7;
	[dreg:$0x5] =	wrdreg s14  }
0xa: {  	s8 =	sor.u32 $0x80, s5;
	s9 =	sadd.s32 s2, s4;
	[dreg:$0x6] =	wrdreg s7  }
0xb: {  	s3 =	ssub.s32 s3, s6;
	s4 =	sadd.s32 s4, s17;
	[dreg:$0x9] =	wrdreg s9  }
0xc: {  	s15 =	sshll.u32 s8, $0x4;
	[dreg:$0xa] =	wrdreg s4;
	s31 =	smax.u32 s3, $0x1  }
0xd: {  	s18 =	sor.u32 $0x100, s5;
	s16 =	sadd.s32 s0, s15;
	[dreg:$0x15] =	wrdreg s31  }
0xe: {  	s20 =	sshll.u32 s18, $0x4;
	s6 =	sadd.s32 s1, s15;
	[dreg:$0x7] =	wrdreg s16  }
0xf: {  	s21 =	sadd.s32 s0, s20;
	[dreg:$0x8] =	wrdreg s6  }
0x10: {  	s8 =	sshll.u32 s8, $0x3;
	s4 =	sadd.s32 s1, s20;
	[dreg:$0xb] =	wrdreg s21  }
0x11: {  	s5 =	sor.u32 $0x180, s5;
	s22 =	sadd.s32 s2, s8;
	[dreg:$0xc] =	wrdreg s4  }
0x12: {  	s23 =	sshll.u32 s5, $0x4;
	s8 =	sadd.s32 s8, s17;
	[dreg:$0xd] =	wrdreg s22  }
0x13: {  	s0 =	sadd.s32 s0, s23;
	[dreg:$0xe] =	wrdreg s8  }
0x14: {  	s24 =	sshll.u32 s18, $0x3;
	s1 =	sadd.s32 s1, s23;
	[dreg:$0xf] =	wrdreg s0  }
0x15: {  	s26 =	sshll.u32 s5, $0x3;
	s25 =	sadd.s32 s2, s24;
	[dreg:$0x10] =	wrdreg s1  }
0x16: {  	s28 =	simm.s32 $0x0;
	s29 =	sadd.s32 s2, s26;
	[dreg:$0x11] =	wrdreg s25  }
0x17: {  	s30 =	sadd.s32 s26, s17;
	s23 =	simm.s32 $0x8080;
	[dreg:$0x13] =	wrdreg s29  }
0x18: {  	s0 =	sadd.s32 s24, s17;
	[dreg:$0x14] =	wrdreg s30;
	s22 =	simm.s32 $0x80  }
0x19: {  	s24 =	simm.s32 $0x4080;
	s25 =	simm.s32 $0xC080;
	[dreg:$0x12] =	wrdreg s0  }
.LBB2_1:
0x1a: {  	s0 =	rddreg [dreg:$0x2];
	s10 =	simm.s32 $0x5  }
0x1b: {  	[tilespmem:s19], [sflag:$0x5] =	stream.linear.gather [hbm4b:s0+s19], $0x80, $0x38;
	[tilespmem:$0x18080] =	vst v63  }
0x1c: {  	_ =	swait.ge [sflag:s10], $0x80  }
0x1d: {  	[sflag:s10] =	ssyncset.done $0x0  }
0x1e: {  	[sflag:s10] =	ssyncadd.s32 $0xFFFFFF80  }
0x1f: {  	v3 =	vld [tilespmem:$0x0]  }
0x20: {  	v2 =	vld [tilespmem:$0x10]  }
0x21: {  	s11 =	rddreg [dreg:$0x5];
	v1 =	vld [tilespmem:$0x20]  }
0x22: {  	v0 =	vld [tilespmem:$0x30];
	[tilespmem:s22], [sflag:$0x1] =	stream.linear.gather [hbm4b:s11+s19], $0x4000, $0x38  }
0x23: {  	s12 =	rddreg [dreg:$0x6]  }
0x24: {  	[tilespmem:s23], [sflag:$0x1] =	stream.linear.gather [hbm4b:s12+s19], $0x4000, $0x38;
	[tilespmem:$0x18080] =	vst v63  }
0x25: {  	s13 =	rddreg [dreg:$0x7]  }
0x26: {  	[tilespmem:s24], [sflag:$0x2] =	stream.linear.gather [hbm4b:s13+s19], $0x4000, $0x38;
	[tilespmem:$0x18080] =	vst v63  }
0x27: {  	s15 =	simm.s32 $0x1;
	s14 =	rddreg [dreg:$0x8]  }
0x28: {  	[tilespmem:s25], [sflag:$0x2] =	stream.linear.gather [hbm4b:s14+s19], $0x4000, $0x38;
	[tilespmem:$0x18080] =	vst v63  }
0x29: {  	_ =	swait.ge [sflag:s15], $0x4000  }
0x2a: {  	v4 =	vadd.s32 s19, v3;
	[sflag:s15] =	ssyncset.done $0x0  }
0x2b: {  	s11 =	simm.s32 $0x80;
	[sflag:s15] =	ssyncadd.s32 $0xFFFFC000  }
0x2c: {  	v5 =	vadd.s32 s11, v3;
	_ =	swait.ge [sflag:s15], $0x4000  }
0x2d: {  	s3 =	simm.s32 $0x100;
	[sflag:s15] =	ssyncset.done $0x0  }
0x2e: {  	v6 =	vadd.s32 s3, v3;
	[sflag:s15] =	ssyncadd.s32 $0xFFFFC000  }
0x2f: {  	s10 =	simm.s32 $0x180;
	v7 =	vld.idx.msk [tilespmem:v4+s23+$0x0], $0xffff  }
0x30: {  	v8 =	vadd.s32 s10, v3;
	v4 =	vld.idx.msk [tilespmem:v4+s22+$0x0], $0xffff  }
0x31: {  	v9 =	vld.idx.msk [tilespmem:v5+s22+$0x0], $0xffff  }
0x32: {  	v5 =	vld.idx.msk [tilespmem:v5+s23+$0x0], $0xffff  }
0x33: {  	v10 =	vld.idx.msk [tilespmem:v6+s22+$0x0], $0xffff  }
0x34: {  	v11 =	vadd.s32 s19, v2;
	v6 =	vld.idx.msk [tilespmem:v6+s23+$0x0], $0xffff  }
0x35: {  	v13 =	vld.idx.msk [tilespmem:v8+s23+$0x0], $0xffff;
	v12 =	vsub.f32 v4, v7  }
0x36: {  	s5 =	simm.s32 $0x10100;
	v8 =	vld.idx.msk [tilespmem:v8+s22+$0x0], $0xffff;
	v4 =	vadd.f32 v7, v4;
	v7 =	vadd.s32 s11, v2  }
0x37: {  	s0 =	simm.s32 $0x14100;
	[tilespmem:s5+$0xFFFFFF80] =	vst v12;
	v12 =	vsub.f32 v9, v5  }
0x38: {  	v14 =	vadd.s32 s3, v2;
	v5 =	vadd.f32 v5, v9;
	[tilespmem:s0+$0xFFFFFF80] =	vst v4  }
0x39: {  	v9 =	vsub.f32 v10, v6;
	v4 =	vld.idx.msk [tilespmem:v11+s23+$0x0], $0xffff;
	[tilespmem:s5+$0xFFFFFFC0] =	vst v12  }
0x3a: {  	v6 =	vadd.f32 v6, v10;
	v10 =	vld.idx.msk [tilespmem:v11+s22+$0x0], $0xffff;
	v11 =	vadd.s32 s10, v2;
	[tilespmem:s0+$0xFFFFFFC0] =	vst v5  }
0x3b: {  	s29 =	simm.s32 $0x200;
	[tilespmem:s5+$0x0] =	vst v9;
	v12 =	vsub.f32 v8, v13;
	v9 =	vld.idx.msk [tilespmem:v7+s23+$0x0], $0xffff  }
0x3c: {  	v5 =	vadd.s32 s29, v3;
	[tilespmem:s0+$0x0] =	vst v6;
	v6 =	vadd.f32 v13, v8;
	v7 =	vld.idx.msk [tilespmem:v7+s22+$0x0], $0xffff  }
0x3d: {  	s17 =	simm.s32 $0x300;
	v8 =	vld.idx.msk [tilespmem:v14+s22+$0x0], $0xffff;
	[tilespmem:s5+$0x40] =	vst v12  }
0x3e: {  	v13 =	vadd.s32 s17, v3;
	v14 =	vld.idx.msk [tilespmem:v14+s23+$0x0], $0xffff;
	[tilespmem:s0+$0x40] =	vst v6  }
0x3f: {  	s8 =	simm.s32 $0x280;
	v15 =	vld.idx.msk [tilespmem:v11+s22+$0x0], $0xffff  }
0x40: {  	v17 =	vadd.s32 s8, v3;
	v11 =	vld.idx.msk [tilespmem:v11+s23+$0x0], $0xffff  }
0x41: {  	v12 =	vadd.s32 s11, v1;
	v6 =	vld.idx.msk [tilespmem:v5+s23+$0x0], $0xffff  }
0x42: {  	s18 =	simm.s32 $0x40;
	s7 =	simm.s32 $0x380;
	v5 =	vld.idx.msk [tilespmem:v5+s22+$0x0], $0xffff;
	v16 =	vsub.f32 v7, v9  }
0x43: {  	s4 =	sor.u32 $0x50, s18;
	v18 =	vadd.s32 s7, v3;
	v7 =	vadd.f32 v9, v7;
	v9 =	vld.idx.msk [tilespmem:v13+s22+$0x0], $0xffff  }
0x44: {  	v13 =	vld.idx.msk [tilespmem:v13+s23+$0x0], $0xffff;
	v19 =	vsub.f32 v8, v14;
	[tilespmem:s4+$0x10080] =	vst v16  }
0x45: {  	v16 =	vadd.s32 s3, v1;
	[tilespmem:s4+$0x14080] =	vst v7;
	v7 =	vadd.f32 v14, v8;
	v14 =	vld.idx.msk [tilespmem:v17+s22+$0x0], $0xffff  }
0x46: {  	s14 =	simm.s32 $0xC0;
	[tilespmem:s5+$0x10] =	vst v19;
	v8 =	vld.idx.msk [tilespmem:v12+s22+$0x0], $0xffff;
	v19 =	vsub.f32 v15, v11  }
0x47: {  	s6 =	sor.u32 $0x50, s14;
	v11 =	vadd.f32 v11, v15;
	v15 =	vadd.s32 s29, v2;
	[tilespmem:s0+$0x10] =	vst v7;
	v7 =	vld.idx.msk [tilespmem:v17+s23+$0x0], $0xffff  }
0x48: {  	v21 =	vsub.f32 v5, v6;
	[tilespmem:s6+$0x10080] =	vst v19;
	v19 =	vld.idx.msk [tilespmem:v18+s23+$0x0], $0xffff  }
0x49: {  	s4 =	simm.s32 $0x10200;
	v17 =	vadd.s32 s10, v1;
	v5 =	vadd.f32 v6, v5;
	[tilespmem:s6+$0x14080] =	vst v11;
	v11 =	vld.idx.msk [tilespmem:v18+s22+$0x0], $0xffff  }
0x4a: {  	s31 =	simm.s32 $0x14200;
	[tilespmem:s4+$0xFFFFFF80] =	vst v21;
	v20 =	vld.idx.msk [tilespmem:v16+s22+$0x0], $0xffff  }
0x4b: {  	v6 =	vadd.s32 s8, v2;
	v16 =	vld.idx.msk [tilespmem:v16+s23+$0x0], $0xffff;
	[tilespmem:s31+$0xFFFFFF80] =	vst v5  }
0x4c: {  	v22 =	vld.idx.msk [tilespmem:v15+s23+$0x0], $0xffff;
	v21 =	vsub.f32 v14, v7  }
0x4d: {  	v5 =	vadd.s32 s17, v2;
	v15 =	vld.idx.msk [tilespmem:v15+s22+$0x0], $0xffff;
	v7 =	vadd.f32 v7, v14  }
0x4e: {  	v18 =	vld.idx.msk [tilespmem:v17+s22+$0x0], $0xffff;
	v14 =	vsub.f32 v9, v13;
	[tilespmem:s4+$0xFFFFFFC0] =	vst v21  }
0x4f: {  	v9 =	vadd.f32 v13, v9;
	[tilespmem:s31+$0xFFFFFFC0] =	vst v7;
	v7 =	vld.idx.msk [tilespmem:v12+s23+$0x0], $0xffff;
	v12 =	vadd.s32 s3, v0  }
0x50: {  	[tilespmem:s4+$0x0] =	vst v14;
	v13 =	vsub.f32 v20, v16;
	v14 =	vld.idx.msk [tilespmem:v6+s23+$0x0], $0xffff  }
0x51: {  	v16 =	vadd.f32 v16, v20;
	[tilespmem:s31+$0x0] =	vst v9;
	v9 =	vadd.s32 s19, v1;
	v6 =	vld.idx.msk [tilespmem:v6+s22+$0x0], $0xffff  }
0x52: {  	s6 =	simm.s32 $0x400;
	v20 =	vsub.f32 v10, v4;
	v21 =	vld.idx.msk [tilespmem:v5+s22+$0x0], $0xffff;
	[tilespmem:s5+$0x20] =	vst v13  }
0x53: {  	v4 =	vadd.f32 v4, v10;
	v10 =	vadd.s32 s6, v3;
	v13 =	vld.idx.msk [tilespmem:v5+s23+$0x0], $0xffff;
	[tilespmem:s0+$0x20] =	vst v16  }
0x54: {  	[tilespmem:s5+$0xFFFFFF90] =	vst v20;
	v5 =	vadd.s32 s7, v2;
	v16 =	vld.idx.msk [tilespmem:v12+s22+$0x0], $0xffff  }
0x55: {  	v20 =	vsub.f32 v11, v19;
	[tilespmem:s0+$0xFFFFFF90] =	vst v4;
	v4 =	vld.idx.msk [tilespmem:v12+s23+$0x0], $0xffff  }
0x56: {  	v11 =	vadd.f32 v19, v11;
	v12 =	vld.idx.msk [tilespmem:v9+s22+$0x0], $0xffff  }
0x57: {  	s9 =	simm.s32 $0x500;
	[tilespmem:s4+$0x40] =	vst v20;
	v9 =	vld.idx.msk [tilespmem:v9+s23+$0x0], $0xffff  }
0x58: {  	v19 =	vadd.s32 s9, v3;
	[tilespmem:s31+$0x40] =	vst v11;
	v11 =	vld.idx.msk [tilespmem:v10+s23+$0x0], $0xffff;
	v25 =	vadd.f32 v7, v8  }
0x59: {  	s20 =	sor.u32 $0x60, s18;
	s15 =	simm.s32 $0x140;
	v20 =	vsub.f32 v6, v14;
	v24 =	vld.idx.msk [tilespmem:v5+s22+$0x0], $0xffff  }
0x5a: {  	v23 =	vadd.s32 s8, v1;
	s16 =	sor.u32 $0x50, s15;
	v26 =	vld.idx.msk [tilespmem:v5+s23+$0x0], $0xffff;
	v5 =	vadd.f32 v14, v6;
	[tilespmem:s20+$0x14080] =	vst v25  }
0x5b: {  	v27 =	vadd.s32 s11, v0;
	v10 =	vld.idx.msk [tilespmem:v10+s22+$0x0], $0xffff;
	v6 =	vsub.f32 v8, v7;
	[tilespmem:s16+$0x10080] =	vst v20  }
0x5c: {  	s12 =	simm.s32 $0x480;
	v14 =	vld.idx.msk [tilespmem:v17+s23+$0x0], $0xffff;
	v17 =	vsub.f32 v21, v13;
	[tilespmem:s16+$0x14080] =	vst v5  }
0x5d: {  	v8 =	vld.idx.msk [tilespmem:v19+s22+$0x0], $0xffff;
	v7 =	vadd.s32 s12, v3;
	[tilespmem:s20+$0x10080] =	vst v6;
	v6 =	vadd.f32 v13, v21  }
0x5e: {  	v19 =	vld.idx.msk [tilespmem:v19+s23+$0x0], $0xffff;
	[tilespmem:s4+$0x10] =	vst v17;
	v20 =	vsub.f32 v16, v4  }
0x5f: {  	s13 =	simm.s32 $0x580;
	v13 =	vadd.s32 s17, v1;
	v5 =	vld.idx.msk [tilespmem:v23+s22+$0x0], $0xffff;
	v4 =	vadd.f32 v4, v16;
	[tilespmem:s31+$0x10] =	vst v6  }
0x60: {  	s16 =	simm.s32 $0x1C0;
	v21 =	vadd.s32 s13, v3;
	v17 =	vld.idx.msk [tilespmem:v27+s22+$0x0], $0xffff;
	v25 =	vsub.f32 v24, v26;
	[tilespmem:s5+$0x30] =	vst v20  }
0x61: {  	v27 =	vld.idx.msk [tilespmem:v27+s23+$0x0], $0xffff;
	s21 =	sor.u32 $0x50, s16;
	v20 =	vadd.f32 v26, v24;
	v24 =	vsub.f32 v12, v9;
	[tilespmem:s0+$0x30] =	vst v4  }
0x62: {  	v16 =	vld.idx.msk [tilespmem:v7+s22+$0x0], $0xffff;
	v9 =	vadd.f32 v9, v12;
	[tilespmem:s21+$0x10080] =	vst v25  }
0x63: {  	v6 =	vadd.s32 s7, v1;
	v7 =	vld.idx.msk [tilespmem:v7+s23+$0x0], $0xffff;
	[tilespmem:s5+$0xFFFFFFA0] =	vst v24  }
0x64: {  	v12 =	vld.idx.msk [tilespmem:v13+s22+$0x0], $0xffff;
	[tilespmem:s0+$0xFFFFFFA0] =	vst v9;
	v9 =	vadd.f32 v14, v18  }
0x65: {  	s26 =	sor.u32 $0x60, s14;
	v4 =	vsub.f32 v18, v14;
	[tilespmem:s21+$0x14080] =	vst v20;
	v20 =	vadd.s32 s10, v0;
	v26 =	vld.idx.msk [tilespmem:v21+s23+$0x0], $0xffff;
	v14 =	vsub.f32 v10, v11  }
0x66: {  	v28 =	vld.idx.msk [tilespmem:v21+s22+$0x0], $0xffff;
	s10 =	simm.s32 $0x10300;
	v10 =	vadd.f32 v11, v10;
	[tilespmem:s26+$0x14080] =	vst v9  }
0x67: {  	v24 =	vadd.s32 s6, v2;
	v13 =	vld.idx.msk [tilespmem:v13+s23+$0x0], $0xffff;
	v9 =	vsub.f32 v17, v27;
	[tilespmem:s10+$0xFFFFFF80] =	vst v14;
	v14 =	vadd.f32 v27, v17  }
0x68: {  	[tilespmem:s26+$0x10080] =	vst v4;
	v4 =	vld.idx.msk [tilespmem:v6+s22+$0x0], $0xffff;
	v17 =	vsub.f32 v16, v7;
	v16 =	vadd.f32 v7, v16  }
0x69: {  	s11 =	simm.s32 $0x14300;
	v18 =	vadd.s32 s19, v0;
	v7 =	vadd.f32 v22, v15;
	v22 =	vsub.f32 v15, v22;
	v15 =	vld.idx.msk [tilespmem:v23+s23+$0x0], $0xffff  }
0x6a: {  	s30 =	sor.u32 $0x70, s18;
	[tilespmem:s11+$0xFFFFFF80] =	vst v10;
	v29 =	vld.idx.msk [tilespmem:v20+s22+$0x0], $0xffff  }
0x6b: {  	v27 =	vld.idx.msk [tilespmem:v20+s23+$0x0], $0xffff;
	v20 =	vadd.s32 s12, v2;
	[tilespmem:s30+$0x10080] =	vst v9  }
0x6c: {  	v10 =	vld.idx.msk [tilespmem:v24+s23+$0x0], $0xffff;
	[tilespmem:s30+$0x14080] =	vst v14  }
0x6d: {  	v11 =	vld.idx.msk [tilespmem:v24+s22+$0x0], $0xffff;
	v9 =	vadd.s32 s9, v2;
	[tilespmem:s10+$0xFFFFFFC0] =	vst v17  }
0x6e: {  	v24 =	vsub.f32 v8, v19;
	[tilespmem:s4+$0xFFFFFF90] =	vst v22;
	v14 =	vld.idx.msk [tilespmem:v18+s22+$0x0], $0xffff  }
0x6f: {  	v23 =	vadd.s32 s17, v0;
	v8 =	vadd.f32 v19, v8;
	v21 =	vsub.f32 v28, v26;
	[tilespmem:s11+$0xFFFFFFC0] =	vst v16;
	v17 =	vld.idx.msk [tilespmem:v18+s23+$0x0], $0xffff  }
0x70: {  	v30 =	vsub.f32 v12, v13;
	v25 =	vadd.f32 v13, v12;
	[tilespmem:s10+$0x0] =	vst v24;
	v19 =	vld.idx.msk [tilespmem:v20+s23+$0x0], $0xffff  }
0x71: {  	v22 =	vadd.f32 v26, v28;
	v18 =	vadd.s32 s29, v1;
	[tilespmem:s11+$0x0] =	vst v8;
	v13 =	vsub.f32 v29, v27;
	v20 =	vld.idx.msk [tilespmem:v20+s22+$0x0], $0xffff  }
0x72: {  	s18 =	simm.s32 $0x8;
	s19 =	simm.s32 $0x600;
	s17 =	simm.s32 $0x2C0;
	[tilespmem:s4+$0x20] =	vst v30;
	v24 =	vadd.f32 v27, v29;
	v12 =	vadd.f32 v10, v11;
	v16 =	vld.idx.msk [tilespmem:v9+s22+$0x0], $0xffff  }
.LBB2_2:
0x73: {  	v26 =	vadd.s32 s19, v3;
	s20 =	sadd.s32 $0x100, s19;
	s3 =	sadd.s32 $0x180, s19;
	s18 =	sadd.s32 $0x4, s18;
	v8 =	vsub.f32 v11, v10;
	v9 =	vld.idx.msk [tilespmem:v9+s23+$0x0], $0xffff;
	v10 =	vadd.s32 s13, v2;
	[tilespmem:s31+$0x20] =	vst v25  }
0x74: {  	v11 =	vadd.s32 s20, v3;
	v25 =	vadd.s32 s3, v3;
	p0 =	slt.u32 s18, $0x7C;
	[tilespmem:s10+$0x40] =	vst v21;
	v21 =	vadd.f32 v15, v5;
	v27 =	vld.idx.msk [tilespmem:v23+s22+$0x0], $0xffff  }
0x75: {  	v28 =	vsub.f32 v14, v17;
	v14 =	vadd.f32 v17, v14;
	[tilespmem:s31+$0xFFFFFF90] =	vst v7;
	v23 =	vld.idx.msk [tilespmem:v23+s23+$0x0], $0xffff;
	v7 =	vmov v12  }
0x76: {  	s26 =	sor.u32 $0x70, s14;
	s14 =	smov.u32 s16;
	s16 =	smov.u32 s17;
	v15 =	vsub.f32 v5, v15;
	[tilespmem:s11+$0x40] =	vst v22;
	v12 =	vld.idx.msk [tilespmem:v18+s22+$0x0], $0xffff  }
0x77: {  	s21 =	sadd.s32 $0xFFFFFF80, s17;
	v5 =	vsub.f32 v20, v19;
	v17 =	vadd.f32 v19, v20;
	v18 =	vld.idx.msk [tilespmem:v18+s23+$0x0], $0xffff;
	[tilespmem:s26+$0x14080] =	vst v24  }
0x78: {  	s30 =	sadd.s32 $0x80, s19;
	s1 =	sor.u32 $0x50, s21;
	v20 =	vadd.s32 s12, v1;
	v19 =	vld.idx.msk [tilespmem:v26+s23+$0x0], $0xffff;
	[tilespmem:s5+$0xFFFFFFB0] =	vst v28;
	s5 =	smov.u32 s4  }
0x79: {  	s2 =	sor.u32 $0x60, s15;
	v22 =	vadd.s32 s30, v3;
	s4 =	smov.u32 s10;
	[tilespmem:s1+$0x10080] =	vst v5;
	v5 =	vsub.f32 v16, v9;
	v16 =	vadd.f32 v9, v16;
	v24 =	vld.idx.msk [tilespmem:v10+s22+$0x0], $0xffff  }
0x7a: {  	v10 =	vld.idx.msk [tilespmem:v10+s23+$0x0], $0xffff;
	[tilespmem:s2+$0x14080] =	vst v21;
	v21 =	vadd.s32 s8, v0;
	s8 =	smov.u32 s12;
	s12 =	smov.u32 s30  }
0x7b: {  	v28 =	vsub.f32 v27, v23;
	v23 =	vadd.f32 v23, v27;
	v27 =	vld.idx.msk [tilespmem:v6+s23+$0x0], $0xffff;
	[tilespmem:s26+$0x10080] =	vst v13  }
0x7c: {  	v13 =	vld.idx.msk [tilespmem:v11+s22+$0x0], $0xffff;
	[tilespmem:s1+$0x14080] =	vst v17  }
0x7d: {  	v17 =	vsub.f32 v12, v18;
	v12 =	vadd.f32 v18, v12;
	v11 =	vld.idx.msk [tilespmem:v11+s23+$0x0], $0xffff;
	[tilespmem:s10+$0x10] =	vst v5  }
0x7e: {  	v5 =	vld.idx.msk [tilespmem:v20+s22+$0x0], $0xffff;
	[tilespmem:s2+$0x10080] =	vst v15  }
0x7f: {  	v9 =	vadd.s32 s20, v2;
	v15 =	vadd.s32 s9, v1;
	v18 =	vld.idx.msk [tilespmem:v21+s22+$0x0], $0xffff;
	[tilespmem:s0+$0xFFFFFFB0] =	vst v14;
	s0 =	smov.u32 s31;
	s31 =	smov.u32 s11  }
0x80: {  	v6 =	vsub.f32 v24, v10;
	v10 =	vadd.f32 v10, v24;
	v14 =	vld.idx.msk [tilespmem:v21+s23+$0x0], $0xffff;
	[tilespmem:s5+$0x30] =	vst v28  }
0x81: {  	s1 =	sor.u32 $0x50, s17;
	s10 =	sadd.s32 $0x100, s10;
	v21 =	vld.idx.msk [tilespmem:v26+s22+$0x0], $0xffff;
	[tilespmem:s11+$0x10] =	vst v16  }
0x82: {  	s11 =	sadd.s32 $0x100, s11;
	v16 =	vld.idx.msk [tilespmem:v22+s22+$0x0], $0xffff;
	[tilespmem:s1+$0x10080] =	vst v6  }
0x83: {  	v24 =	vadd.s32 s19, v2;
	v6 =	vadd.s32 s13, v1;
	v22 =	vld.idx.msk [tilespmem:v22+s23+$0x0], $0xffff;
	[tilespmem:s1+$0x14080] =	vst v10  }
0x84: {  	v10 =	vadd.s32 s7, v0;
	s7 =	smov.u32 s13;
	s13 =	smov.u32 s3;
	v26 =	vld.idx.msk [tilespmem:v15+s22+$0x0], $0xffff;
	[tilespmem:s0+$0x30] =	vst v23  }
0x85: {  	v23 =	vld.idx.msk [tilespmem:v25+s23+$0x0], $0xffff;
	[tilespmem:s5+$0xFFFFFFA0] =	vst v17;
	v17 =	vsub.f32 v4, v27  }
0x86: {  	s1 =	sor.u32 $0x60, s14;
	v28 =	vld.idx.msk [tilespmem:v25+s22+$0x0], $0xffff;
	[tilespmem:s0+$0xFFFFFFA0] =	vst v12;
	v12 =	vsub.f32 v18, v14;
	v25 =	vadd.f32 v27, v4  }
0x87: {  	v29 =	vadd.s32 s12, v2;
	v27 =	vsub.f32 v21, v19;
	v19 =	vadd.f32 v19, v21;
	v15 =	vld.idx.msk [tilespmem:v15+s23+$0x0], $0xffff;
	[tilespmem:s1+$0x10080] =	vst v17  }
0x88: {  	v30 =	vadd.f32 v11, v13;
	v14 =	vadd.f32 v14, v18;
	v17 =	vadd.s32 s29, v0;
	s29 =	smov.u32 s6;
	s6 =	smov.u32 s19;
	v4 =	vld.idx.msk [tilespmem:v6+s22+$0x0], $0xffff;
	[tilespmem:s1+$0x14080] =	vst v25  }
0x89: {  	v18 =	vsub.f32 v16, v22;
	v16 =	vadd.f32 v22, v16;
	[tilespmem:s10+$0xFFFFFF80] =	vst v27;
	v27 =	vld.idx.msk [tilespmem:v10+s22+$0x0], $0xffff  }
0x8a: {  	s1 =	sor.u32 $0x70, s15;
	s15 =	smov.u32 s21;
	[tilespmem:s11+$0xFFFFFF80] =	vst v19;
	v31 =	vld.idx.msk [tilespmem:v10+s23+$0x0], $0xffff  }
0x8b: {  	v13 =	vsub.f32 v13, v11;
	v10 =	vld.idx.msk [tilespmem:v24+s23+$0x0], $0xffff;
	[tilespmem:s1+$0x10080] =	vst v12  }
0x8c: {  	v21 =	vsub.f32 v28, v23;
	v11 =	vld.idx.msk [tilespmem:v24+s22+$0x0], $0xffff;
	[tilespmem:s1+$0x14080] =	vst v14  }
0x8d: {  	v32 =	vsub.f32 v26, v15;
	v25 =	vadd.f32 v15, v26;
	[tilespmem:s10+$0xFFFFFFC0] =	vst v18;
	v14 =	vld.idx.msk [tilespmem:v17+s22+$0x0], $0xffff  }
.Ltmp0:
0x8e: {  	v22 =	vadd.f32 v23, v28;
	[tilespmem:s11+$0xFFFFFFC0] =	vst v16;
	v15 =	vld.idx.msk [tilespmem:v20+s23+$0x0], $0xffff;
	(pc) =	sbr.rel @p0 .LBB2_2-.Ltmp0, $4  }
0x8f: {  	v23 =	vadd.s32 s9, v0;
	s9 =	smov.u32 s20;
	[tilespmem:s10+$0x0] =	vst v13;
	v17 =	vld.idx.msk [tilespmem:v17+s23+$0x0], $0xffff  }
0x90: {  	v13 =	vsub.f32 v27, v31;
	v24 =	vadd.f32 v31, v27;
	v19 =	vld.idx.msk [tilespmem:v29+s23+$0x0], $0xffff;
	[tilespmem:s4+$0xFFFFFF90] =	vst v8  }
0x91: {  	v18 =	vadd.s32 s29, v1;
	v20 =	vld.idx.msk [tilespmem:v29+s22+$0x0], $0xffff;
	[tilespmem:s11+$0x0] =	vst v30  }
0x92: {  	s17 =	sadd.s32 $0x100, s17;
	s19 =	sadd.s32 $0x200, s19;
	v12 =	vadd.f32 v10, v11;
	v16 =	vld.idx.msk [tilespmem:v9+s22+$0x0], $0xffff;
	[tilespmem:s4+$0x20] =	vst v32  }
0x93: {  	[tilespmem:s31+$0x20] =	vst v25  }
0x94: {  	[tilespmem:s10+$0x40] =	vst v21  }
0x95: {  	[tilespmem:s31+$0xFFFFFF90] =	vst v7  }
0x96: {  	v8 =	vadd.s32 s13, v2;
	s1 =	sor.u32 $0x70, s14;
	[tilespmem:s11+$0x40] =	vst v22  }
0x97: {  	v10 =	vsub.f32 v11, v10;
	[tilespmem:s1+$0x14080] =	vst v24  }
0x98: {  	v7 =	vld.idx.msk [tilespmem:v9+s23+$0x0], $0xffff;
	v9 =	vsub.f32 v14, v17;
	[tilespmem:s1+$0x10080] =	vst v13  }
0x99: {  	v22 =	vadd.f32 v15, v5;
	v24 =	vld.idx.msk [tilespmem:v23+s22+$0x0], $0xffff;
	[tilespmem:s10+$0xFFFFFF90] =	vst v10  }
0x9a: {  	s3 =	sor.u32 $0x60, s15;
	v5 =	vsub.f32 v5, v15;
	[tilespmem:s5+$0xFFFFFFB0] =	vst v9;
	v9 =	vld.idx.msk [tilespmem:v23+s23+$0x0], $0xffff  }
0x9b: {  	s30 =	sadd.s32 $0xFFFFFF80, s17;
	v21 =	vsub.f32 v20, v19;
	v19 =	vadd.f32 v19, v20;
	[tilespmem:s3+$0x14080] =	vst v22;
	v20 =	vld.idx.msk [tilespmem:v8+s22+$0x0], $0xffff  }
0x9c: {  	s2 =	sor.u32 $0x50, s30;
	v13 =	vadd.s32 s8, v0;
	v14 =	vadd.f32 v17, v14;
	[tilespmem:s3+$0x10080] =	vst v5;
	v8 =	vld.idx.msk [tilespmem:v8+s23+$0x0], $0xffff  }
0x9d: {  	[tilespmem:s2+$0x10080] =	vst v21;
	v21 =	vsub.f32 v16, v7  }
0x9e: {  	v6 =	vld.idx.msk [tilespmem:v6+s23+$0x0], $0xffff;
	[tilespmem:s0+$0xFFFFFFB0] =	vst v14;
	v7 =	vadd.f32 v7, v16  }
0x9f: {  	v5 =	vld.idx.msk [tilespmem:v18+s22+$0x0], $0xffff;
	[tilespmem:s10+$0x10] =	vst v21  }
0xa0: {  	v14 =	vld.idx.msk [tilespmem:v18+s23+$0x0], $0xffff;
	v16 =	vadd.s32 s9, v1;
	v15 =	vsub.f32 v24, v9;
	[tilespmem:s11+$0x10] =	vst v7;
	v7 =	vadd.f32 v9, v24  }
0xa1: {  	[tilespmem:s2+$0x14080] =	vst v19;
	v9 =	vld.idx.msk [tilespmem:v13+s23+$0x0], $0xffff;
	v18 =	vsub.f32 v20, v8;
	v8 =	vadd.f32 v8, v20  }
0xa2: {  	s3 =	sor.u32 $0x50, s17;
	[tilespmem:s4+$0x30] =	vst v15;
	v15 =	vld.idx.msk [tilespmem:v13+s22+$0x0], $0xffff;
	v13 =	vadd.s32 s7, v0  }
0xa3: {  	[tilespmem:s3+$0x14080] =	vst v8;
	v8 =	vsub.f32 v4, v6  }
0xa4: {  	v17 =	vadd.s32 s12, v1;
	s5 =	sor.u32 $0x60, s16;
	[tilespmem:s31+$0x30] =	vst v7;
	v4 =	vadd.f32 v6, v4  }
0xa5: {  	v19 =	vld.idx.msk [tilespmem:v16+s22+$0x0], $0xffff;
	v6 =	vsub.f32 v5, v14;
	[tilespmem:s5+$0x10080] =	vst v8  }
0xa6: {  	v7 =	vadd.s32 s13, v1;
	v5 =	vadd.f32 v14, v5;
	v8 =	vld.idx.msk [tilespmem:v16+s23+$0x0], $0xffff;
	[tilespmem:s5+$0x14080] =	vst v4  }
0xa7: {  	[tilespmem:s4+$0xFFFFFFA0] =	vst v6;
	v6 =	vld.idx.msk [tilespmem:v13+s22+$0x0], $0xffff  }
0xa8: {  	v14 =	vadd.s32 s6, v1;
	v4 =	vsub.f32 v15, v9;
	[tilespmem:s31+$0xFFFFFFA0] =	vst v5;
	v5 =	vld.idx.msk [tilespmem:v13+s23+$0x0], $0xffff  }
0xa9: {  	s7 =	sor.u32 $0x70, s15;
	[tilespmem:s3+$0x10080] =	vst v18;
	v18 =	vld.idx.msk [tilespmem:v17+s22+$0x0], $0xffff  }
0xaa: {  	v11 =	vadd.s32 s29, v0;
	v9 =	vadd.f32 v9, v15;
	[tilespmem:s7+$0x10080] =	vst v4;
	v4 =	vld.idx.msk [tilespmem:v17+s23+$0x0], $0xffff  }
0xab: {  	[tilespmem:s11+$0xFFFFFF90] =	vst v12;
	v13 =	vld.idx.msk [tilespmem:v7+s22+$0x0], $0xffff;
	v10 =	vsub.f32 v19, v8  }
0xac: {  	v15 =	vadd.s32 s9, v0;
	v7 =	vld.idx.msk [tilespmem:v7+s23+$0x0], $0xffff;
	[tilespmem:s7+$0x14080] =	vst v9;
	v8 =	vadd.f32 v8, v19  }
0xad: {  	v9 =	vld.idx.msk [tilespmem:v14+s22+$0x0], $0xffff;
	v12 =	vadd.f32 v5, v6;
	[tilespmem:s10+$0x20] =	vst v10  }
0xae: {  	s8 =	sor.u32 $0x70, s16;
	v5 =	vsub.f32 v6, v5;
	v10 =	vld.idx.msk [tilespmem:v14+s23+$0x0], $0xffff;
	v14 =	vadd.s32 s12, v0;
	[tilespmem:s11+$0x20] =	vst v8  }
0xaf: {  	v16 =	vld.idx.msk [tilespmem:v11+s22+$0x0], $0xffff;
	v8 =	vadd.f32 v4, v18;
	[tilespmem:s8+$0x14080] =	vst v12  }
0xb0: {  	s9 =	sor.u32 $0x60, s30;
	v11 =	vld.idx.msk [tilespmem:v11+s23+$0x0], $0xffff;
	v4 =	vsub.f32 v18, v4;
	v12 =	vadd.s32 s13, v0;
	[tilespmem:s8+$0x10080] =	vst v5  }
0xb1: {  	v17 =	vld.idx.msk [tilespmem:v15+s22+$0x0], $0xffff;
	[tilespmem:s9+$0x14080] =	vst v8;
	v8 =	vsub.f32 v13, v7  }
0xb2: {  	s12 =	sor.u32 $0x60, s17;
	v15 =	vld.idx.msk [tilespmem:v15+s23+$0x0], $0xffff;
	[tilespmem:s9+$0x10080] =	vst v4;
	v4 =	vadd.f32 v7, v13;
	v7 =	vadd.s32 s6, v0  }
0xb3: {  	v13 =	vsub.f32 v9, v10;
	v18 =	vld.idx.msk [tilespmem:v14+s22+$0x0], $0xffff;
	[tilespmem:s12+$0x10080] =	vst v8  }
0xb4: {  	v8 =	vadd.f32 v10, v9;
	v9 =	vld.idx.msk [tilespmem:v14+s23+$0x0], $0xffff;
	[tilespmem:s12+$0x14080] =	vst v4  }
0xb5: {  	v4 =	vsub.f32 v16, v11;
	v10 =	vld.idx.msk [tilespmem:v12+s22+$0x0], $0xffff;
	[tilespmem:s10+$0xFFFFFFA0] =	vst v13  }
0xb6: {  	v6 =	vld.idx.msk [tilespmem:v12+s23+$0x0], $0xffff;
	[tilespmem:s11+$0xFFFFFFA0] =	vst v8;
	v8 =	vadd.f32 v11, v16  }
0xb7: {  	[tilespmem:s4+$0xFFFFFFB0] =	vst v4;
	v11 =	vsub.f32 v17, v15;
	v4 =	vld.idx.msk [tilespmem:v7+s22+$0x0], $0xffff  }
0xb8: {  	v5 =	vld.idx.msk [tilespmem:v7+s23+$0x0], $0xffff;
	v7 =	vadd.f32 v15, v17;
	[tilespmem:s31+$0xFFFFFFB0] =	vst v8  }
0xb9: {  	[tilespmem:s10+$0x30] =	vst v11;
	v8 =	vsub.f32 v18, v9  }
0xba: {  	s13 =	sor.u32 $0x70, s30;
	[tilespmem:s11+$0x30] =	vst v7;
	v7 =	vadd.f32 v9, v18  }
0xbb: {  	[tilespmem:s13+$0x10080] =	vst v8;
	v8 =	vadd.f32 v6, v10  }
0xbc: {  	s14 =	sor.u32 $0x70, s17;
	v6 =	vsub.f32 v10, v6;
	[tilespmem:s13+$0x14080] =	vst v7  }
0xbd: {  	v7 =	vsub.f32 v4, v5;
	[tilespmem:s14+$0x14080] =	vst v8  }
0xbe: {  	v4 =	vadd.f32 v5, v4;
	[tilespmem:s14+$0x10080] =	vst v6  }
0xbf: {  	[tilespmem:s10+$0xFFFFFFB0] =	vst v7  }
0xc0: {  	[tilespmem:s11+$0xFFFFFFB0] =	vst v4  }
0xc1: {  	s15 =	simm.s32 $0x10080;
	s11 =	simm.s32 $0x0;
	s0 =	rddreg [dreg:$0x9]  }
0xc2: {  	[hbm4b:s0+s11] =	stream.linear.scatter [tilespmem:s15], [sflag:$0x3], $0x2000, $0x38;
	[tilespmem:$0x18080] =	vst v63  }
0xc3: {  	s17 =	simm.s32 $0x14080;
	s16 =	rddreg [dreg:$0xa]  }
0xc4: {  	[hbm4b:s16+s11] =	stream.linear.scatter [tilespmem:s17], [sflag:$0x3], $0x2000, $0x38;
	[tilespmem:$0x18080] =	vst v63  }
0xc5: {  	s18 =	rddreg [dreg:$0xb]  }
0xc6: {  	[tilespmem:s22], [sflag:$0x1] =	stream.linear.gather [hbm4b:s18+s11], $0x4000, $0x38;
	[tilespmem:$0x18080] =	vst v63  }
0xc7: {  	s20 =	simm.s32 $0x2;
	s19 =	rddreg [dreg:$0xc]  }
0xc8: {  	[tilespmem:s23], [sflag:$0x1] =	stream.linear.gather [hbm4b:s19+s11], $0x4000, $0x38;
	[tilespmem:$0x18080] =	vst v63  }
0xc9: {  	_ =	swait.ge [sflag:s20], $0x4000  }
0xca: {  	v4 =	vadd.s32 s11, v3;
	[sflag:s20] =	ssyncset.done $0x0  }
0xcb: {  	s21 =	simm.s32 $0x80;
	[sflag:s20] =	ssyncadd.s32 $0xFFFFC000  }
0xcc: {  	v5 =	vadd.s32 s21, v3;
	_ =	swait.ge [sflag:s20], $0x4000  }
0xcd: {  	s26 =	simm.s32 $0x100;
	[sflag:s20] =	ssyncset.done $0x0  }
0xce: {  	v6 =	vadd.s32 s26, v3;
	[sflag:s20] =	ssyncadd.s32 $0xFFFFC000  }
0xcf: {  	s30 =	simm.s32 $0x180;
	v7 =	vld.idx.msk [tilespmem:v4+s25+$0x0], $0xffff  }
0xd0: {  	v8 =	vadd.s32 s30, v3;
	v4 =	vld.idx.msk [tilespmem:v4+s24+$0x0], $0xffff  }
0xd1: {  	v9 =	vld.idx.msk [tilespmem:v5+s24+$0x0], $0xffff  }
0xd2: {  	v5 =	vld.idx.msk [tilespmem:v5+s25+$0x0], $0xffff  }
0xd3: {  	v10 =	vld.idx.msk [tilespmem:v6+s24+$0x0], $0xffff  }
0xd4: {  	v11 =	vadd.s32 s11, v2;
	v6 =	vld.idx.msk [tilespmem:v6+s25+$0x0], $0xffff  }
0xd5: {  	v13 =	vld.idx.msk [tilespmem:v8+s25+$0x0], $0xffff;
	v12 =	vsub.f32 v4, v7  }
0xd6: {  	s5 =	simm.s32 $0x12100;
	v8 =	vld.idx.msk [tilespmem:v8+s24+$0x0], $0xffff;
	v4 =	vadd.f32 v7, v4;
	v7 =	vadd.s32 s21, v2  }
0xd7: {  	s0 =	simm.s32 $0x16100;
	[tilespmem:s5+$0xFFFFFF80] =	vst v12;
	v12 =	vsub.f32 v9, v5  }
0xd8: {  	v14 =	vadd.s32 s26, v2;
	v5 =	vadd.f32 v5, v9;
	[tilespmem:s0+$0xFFFFFF80] =	vst v4  }
0xd9: {  	v9 =	vsub.f32 v10, v6;
	v4 =	vld.idx.msk [tilespmem:v11+s25+$0x0], $0xffff;
	[tilespmem:s5+$0xFFFFFFC0] =	vst v12  }
0xda: {  	v6 =	vadd.f32 v6, v10;
	v10 =	vld.idx.msk [tilespmem:v11+s24+$0x0], $0xffff;
	v11 =	vadd.s32 s30, v2;
	[tilespmem:s0+$0xFFFFFFC0] =	vst v5  }
0xdb: {  	s29 =	simm.s32 $0x200;
	[tilespmem:s5+$0x0] =	vst v9;
	v12 =	vsub.f32 v8, v13;
	v9 =	vld.idx.msk [tilespmem:v7+s25+$0x0], $0xffff  }
0xdc: {  	v5 =	vadd.s32 s29, v3;
	[tilespmem:s0+$0x0] =	vst v6;
	v6 =	vadd.f32 v13, v8;
	v7 =	vld.idx.msk [tilespmem:v7+s24+$0x0], $0xffff  }
0xdd: {  	s17 =	simm.s32 $0x300;
	v8 =	vld.idx.msk [tilespmem:v14+s24+$0x0], $0xffff;
	[tilespmem:s5+$0x40] =	vst v12  }
0xde: {  	v13 =	vadd.s32 s17, v3;
	v14 =	vld.idx.msk [tilespmem:v14+s25+$0x0], $0xffff;
	[tilespmem:s0+$0x40] =	vst v6  }
0xdf: {  	s8 =	simm.s32 $0x280;
	v15 =	vld.idx.msk [tilespmem:v11+s24+$0x0], $0xffff  }
0xe0: {  	v17 =	vadd.s32 s8, v3;
	v11 =	vld.idx.msk [tilespmem:v11+s25+$0x0], $0xffff  }
0xe1: {  	v12 =	vadd.s32 s21, v1;
	v6 =	vld.idx.msk [tilespmem:v5+s25+$0x0], $0xffff  }
0xe2: {  	s7 =	simm.s32 $0x380;
	s18 =	simm.s32 $0x40;
	v5 =	vld.idx.msk [tilespmem:v5+s24+$0x0], $0xffff;
	v16 =	vsub.f32 v7, v9  }
0xe3: {  	v18 =	vadd.s32 s7, v3;
	s15 =	sor.u32 $0x50, s18;
	v7 =	vadd.f32 v9, v7;
	v9 =	vld.idx.msk [tilespmem:v13+s24+$0x0], $0xffff  }
0xe4: {  	v13 =	vld.idx.msk [tilespmem:v13+s25+$0x0], $0xffff;
	v19 =	vsub.f32 v8, v14;
	[tilespmem:s15+$0x12080] =	vst v16  }
0xe5: {  	v16 =	vadd.s32 s26, v1;
	[tilespmem:s15+$0x16080] =	vst v7;
	v7 =	vadd.f32 v14, v8;
	v14 =	vld.idx.msk [tilespmem:v17+s24+$0x0], $0xffff  }
0xe6: {  	s14 =	simm.s32 $0xC0;
	[tilespmem:s5+$0x10] =	vst v19;
	v8 =	vld.idx.msk [tilespmem:v12+s24+$0x0], $0xffff;
	v19 =	vsub.f32 v15, v11  }
0xe7: {  	s16 =	sor.u32 $0x50, s14;
	v11 =	vadd.f32 v11, v15;
	v15 =	vadd.s32 s29, v2;
	[tilespmem:s0+$0x10] =	vst v7;
	v7 =	vld.idx.msk [tilespmem:v17+s25+$0x0], $0xffff  }
0xe8: {  	v21 =	vsub.f32 v5, v6;
	[tilespmem:s16+$0x12080] =	vst v19;
	v19 =	vld.idx.msk [tilespmem:v18+s25+$0x0], $0xffff  }
0xe9: {  	s4 =	simm.s32 $0x12200;
	v17 =	vadd.s32 s30, v1;
	v5 =	vadd.f32 v6, v5;
	[tilespmem:s16+$0x16080] =	vst v11;
	v11 =	vld.idx.msk [tilespmem:v18+s24+$0x0], $0xffff  }
0xea: {  	s31 =	simm.s32 $0x16200;
	[tilespmem:s4+$0xFFFFFF80] =	vst v21;
	v20 =	vld.idx.msk [tilespmem:v16+s24+$0x0], $0xffff  }
0xeb: {  	v6 =	vadd.s32 s8, v2;
	v16 =	vld.idx.msk [tilespmem:v16+s25+$0x0], $0xffff;
	[tilespmem:s31+$0xFFFFFF80] =	vst v5  }
0xec: {  	v22 =	vld.idx.msk [tilespmem:v15+s25+$0x0], $0xffff;
	v21 =	vsub.f32 v14, v7  }
0xed: {  	v5 =	vadd.s32 s17, v2;
	v15 =	vld.idx.msk [tilespmem:v15+s24+$0x0], $0xffff;
	v7 =	vadd.f32 v7, v14  }
0xee: {  	v18 =	vld.idx.msk [tilespmem:v17+s24+$0x0], $0xffff;
	v14 =	vsub.f32 v9, v13;
	[tilespmem:s4+$0xFFFFFFC0] =	vst v21  }
0xef: {  	v9 =	vadd.f32 v13, v9;
	[tilespmem:s31+$0xFFFFFFC0] =	vst v7;
	v7 =	vld.idx.msk [tilespmem:v12+s25+$0x0], $0xffff;
	v12 =	vadd.s32 s26, v0  }
0xf0: {  	[tilespmem:s4+$0x0] =	vst v14;
	v13 =	vsub.f32 v20, v16;
	v14 =	vld.idx.msk [tilespmem:v6+s25+$0x0], $0xffff  }
0xf1: {  	v16 =	vadd.f32 v16, v20;
	[tilespmem:s31+$0x0] =	vst v9;
	v9 =	vadd.s32 s11, v1;
	v6 =	vld.idx.msk [tilespmem:v6+s24+$0x0], $0xffff  }
0xf2: {  	s6 =	simm.s32 $0x400;
	v20 =	vsub.f32 v10, v4;
	v21 =	vld.idx.msk [tilespmem:v5+s24+$0x0], $0xffff;
	[tilespmem:s5+$0x20] =	vst v13  }
0xf3: {  	v4 =	vadd.f32 v4, v10;
	v10 =	vadd.s32 s6, v3;
	v13 =	vld.idx.msk [tilespmem:v5+s25+$0x0], $0xffff;
	[tilespmem:s0+$0x20] =	vst v16  }
0xf4: {  	[tilespmem:s5+$0xFFFFFF90] =	vst v20;
	v5 =	vadd.s32 s7, v2;
	v16 =	vld.idx.msk [tilespmem:v12+s24+$0x0], $0xffff  }
0xf5: {  	v20 =	vsub.f32 v11, v19;
	[tilespmem:s0+$0xFFFFFF90] =	vst v4;
	v4 =	vld.idx.msk [tilespmem:v12+s25+$0x0], $0xffff  }
0xf6: {  	v11 =	vadd.f32 v19, v11;
	v12 =	vld.idx.msk [tilespmem:v9+s24+$0x0], $0xffff  }
0xf7: {  	s9 =	simm.s32 $0x500;
	[tilespmem:s4+$0x40] =	vst v20;
	v9 =	vld.idx.msk [tilespmem:v9+s25+$0x0], $0xffff  }
0xf8: {  	v19 =	vadd.s32 s9, v3;
	[tilespmem:s31+$0x40] =	vst v11;
	v11 =	vld.idx.msk [tilespmem:v10+s25+$0x0], $0xffff;
	v25 =	vadd.f32 v7, v8  }
0xf9: {  	s20 =	sor.u32 $0x60, s18;
	s15 =	simm.s32 $0x140;
	v20 =	vsub.f32 v6, v14;
	v24 =	vld.idx.msk [tilespmem:v5+s24+$0x0], $0xffff  }
0xfa: {  	v23 =	vadd.s32 s8, v1;
	s19 =	sor.u32 $0x50, s15;
	v26 =	vld.idx.msk [tilespmem:v5+s25+$0x0], $0xffff;
	v5 =	vadd.f32 v14, v6;
	[tilespmem:s20+$0x16080] =	vst v25  }
0xfb: {  	v27 =	vadd.s32 s21, v0;
	v10 =	vld.idx.msk [tilespmem:v10+s24+$0x0], $0xffff;
	v6 =	vsub.f32 v8, v7;
	[tilespmem:s19+$0x12080] =	vst v20  }
0xfc: {  	s12 =	simm.s32 $0x480;
	v14 =	vld.idx.msk [tilespmem:v17+s25+$0x0], $0xffff;
	v17 =	vsub.f32 v21, v13;
	[tilespmem:s19+$0x16080] =	vst v5  }
0xfd: {  	v8 =	vld.idx.msk [tilespmem:v19+s24+$0x0], $0xffff;
	v7 =	vadd.s32 s12, v3;
	[tilespmem:s20+$0x12080] =	vst v6;
	v6 =	vadd.f32 v13, v21  }
0xfe: {  	v19 =	vld.idx.msk [tilespmem:v19+s25+$0x0], $0xffff;
	[tilespmem:s4+$0x10] =	vst v17;
	v20 =	vsub.f32 v16, v4  }
0xff: {  	s13 =	simm.s32 $0x580;
	v13 =	vadd.s32 s17, v1;
	v5 =	vld.idx.msk [tilespmem:v23+s24+$0x0], $0xffff;
	v4 =	vadd.f32 v4, v16;
	[tilespmem:s31+$0x10] =	vst v6  }
0x100: {  	s16 =	simm.s32 $0x1C0;
	v21 =	vadd.s32 s13, v3;
	v17 =	vld.idx.msk [tilespmem:v27+s24+$0x0], $0xffff;
	v25 =	vsub.f32 v24, v26;
	[tilespmem:s5+$0x30] =	vst v20  }
0x101: {  	s21 =	sor.u32 $0x50, s16;
	v27 =	vld.idx.msk [tilespmem:v27+s25+$0x0], $0xffff;
	v20 =	vadd.f32 v26, v24;
	v24 =	vsub.f32 v12, v9;
	[tilespmem:s0+$0x30] =	vst v4  }
0x102: {  	v16 =	vld.idx.msk [tilespmem:v7+s24+$0x0], $0xffff;
	v9 =	vadd.f32 v9, v12;
	[tilespmem:s21+$0x12080] =	vst v25  }
0x103: {  	v6 =	vadd.s32 s7, v1;
	v7 =	vld.idx.msk [tilespmem:v7+s25+$0x0], $0xffff;
	[tilespmem:s5+$0xFFFFFFA0] =	vst v24  }
0x104: {  	v12 =	vld.idx.msk [tilespmem:v13+s24+$0x0], $0xffff;
	[tilespmem:s0+$0xFFFFFFA0] =	vst v9;
	v9 =	vadd.f32 v14, v18  }
0x105: {  	s26 =	sor.u32 $0x60, s14;
	v4 =	vsub.f32 v18, v14;
	[tilespmem:s21+$0x16080] =	vst v20;
	v20 =	vadd.s32 s30, v0;
	v26 =	vld.idx.msk [tilespmem:v21+s25+$0x0], $0xffff;
	v14 =	vsub.f32 v10, v11  }
0x106: {  	s10 =	simm.s32 $0x12300;
	v28 =	vld.idx.msk [tilespmem:v21+s24+$0x0], $0xffff;
	v10 =	vadd.f32 v11, v10;
	[tilespmem:s26+$0x16080] =	vst v9  }
0x107: {  	v24 =	vadd.s32 s6, v2;
	v13 =	vld.idx.msk [tilespmem:v13+s25+$0x0], $0xffff;
	v9 =	vsub.f32 v17, v27;
	[tilespmem:s10+$0xFFFFFF80] =	vst v14;
	v14 =	vadd.f32 v27, v17  }
0x108: {  	[tilespmem:s26+$0x12080] =	vst v4;
	v4 =	vld.idx.msk [tilespmem:v6+s24+$0x0], $0xffff;
	v17 =	vsub.f32 v16, v7;
	v16 =	vadd.f32 v7, v16  }
0x109: {  	v18 =	vadd.s32 s11, v0;
	s11 =	simm.s32 $0x16300;
	v7 =	vadd.f32 v22, v15;
	v22 =	vsub.f32 v15, v22;
	v15 =	vld.idx.msk [tilespmem:v23+s25+$0x0], $0xffff  }
0x10a: {  	s30 =	sor.u32 $0x70, s18;
	[tilespmem:s11+$0xFFFFFF80] =	vst v10;
	v29 =	vld.idx.msk [tilespmem:v20+s24+$0x0], $0xffff  }
0x10b: {  	v27 =	vld.idx.msk [tilespmem:v20+s25+$0x0], $0xffff;
	v20 =	vadd.s32 s12, v2;
	[tilespmem:s30+$0x12080] =	vst v9  }
0x10c: {  	v10 =	vld.idx.msk [tilespmem:v24+s25+$0x0], $0xffff;
	[tilespmem:s30+$0x16080] =	vst v14  }
0x10d: {  	v11 =	vld.idx.msk [tilespmem:v24+s24+$0x0], $0xffff;
	v9 =	vadd.s32 s9, v2;
	[tilespmem:s10+$0xFFFFFFC0] =	vst v17  }
0x10e: {  	v24 =	vsub.f32 v8, v19;
	[tilespmem:s4+$0xFFFFFF90] =	vst v22;
	v14 =	vld.idx.msk [tilespmem:v18+s24+$0x0], $0xffff  }
0x10f: {  	v23 =	vadd.s32 s17, v0;
	v8 =	vadd.f32 v19, v8;
	v21 =	vsub.f32 v28, v26;
	[tilespmem:s11+$0xFFFFFFC0] =	vst v16;
	v17 =	vld.idx.msk [tilespmem:v18+s25+$0x0], $0xffff  }
0x110: {  	v30 =	vsub.f32 v12, v13;
	v25 =	vadd.f32 v13, v12;
	[tilespmem:s10+$0x0] =	vst v24;
	v19 =	vld.idx.msk [tilespmem:v20+s25+$0x0], $0xffff  }
0x111: {  	v22 =	vadd.f32 v26, v28;
	v18 =	vadd.s32 s29, v1;
	[tilespmem:s11+$0x0] =	vst v8;
	v13 =	vsub.f32 v29, v27;
	v20 =	vld.idx.msk [tilespmem:v20+s24+$0x0], $0xffff  }
0x112: {  	s19 =	simm.s32 $0x600;
	s18 =	simm.s32 $0x8;
	s17 =	simm.s32 $0x2C0;
	[tilespmem:s4+$0x20] =	vst v30;
	v24 =	vadd.f32 v27, v29;
	v12 =	vadd.f32 v10, v11;
	v16 =	vld.idx.msk [tilespmem:v9+s24+$0x0], $0xffff  }
.LBB2_4:
0x113: {  	v26 =	vadd.s32 s19, v3;
	s20 =	sadd.s32 $0x100, s19;
	s3 =	sadd.s32 $0x180, s19;
	s18 =	sadd.s32 $0x4, s18;
	v8 =	vsub.f32 v11, v10;
	v9 =	vld.idx.msk [tilespmem:v9+s25+$0x0], $0xffff;
	v10 =	vadd.s32 s13, v2;
	[tilespmem:s31+$0x20] =	vst v25  }
0x114: {  	v11 =	vadd.s32 s20, v3;
	v25 =	vadd.s32 s3, v3;
	p0 =	slt.u32 s18, $0x7C;
	[tilespmem:s10+$0x40] =	vst v21;
	v21 =	vadd.f32 v15, v5;
	v27 =	vld.idx.msk [tilespmem:v23+s24+$0x0], $0xffff  }
0x115: {  	v28 =	vsub.f32 v14, v17;
	v14 =	vadd.f32 v17, v14;
	[tilespmem:s31+$0xFFFFFF90] =	vst v7;
	v23 =	vld.idx.msk [tilespmem:v23+s25+$0x0], $0xffff;
	v7 =	vmov v12  }
0x116: {  	s1 =	sor.u32 $0x70, s14;
	s14 =	smov.u32 s16;
	s16 =	smov.u32 s17;
	v15 =	vsub.f32 v5, v15;
	[tilespmem:s11+$0x40] =	vst v22;
	v12 =	vld.idx.msk [tilespmem:v18+s24+$0x0], $0xffff  }
0x117: {  	s21 =	sadd.s32 $0xFFFFFF80, s17;
	v5 =	vsub.f32 v20, v19;
	v17 =	vadd.f32 v19, v20;
	v18 =	vld.idx.msk [tilespmem:v18+s25+$0x0], $0xffff;
	[tilespmem:s1+$0x16080] =	vst v24  }
0x118: {  	s2 =	sadd.s32 $0x80, s19;
	s26 =	sor.u32 $0x50, s21;
	v20 =	vadd.s32 s12, v1;
	v19 =	vld.idx.msk [tilespmem:v26+s25+$0x0], $0xffff;
	[tilespmem:s5+$0xFFFFFFB0] =	vst v28;
	s5 =	smov.u32 s4  }
0x119: {  	s30 =	sor.u32 $0x60, s15;
	v22 =	vadd.s32 s2, v3;
	s4 =	smov.u32 s10;
	[tilespmem:s26+$0x12080] =	vst v5;
	v5 =	vsub.f32 v16, v9;
	v16 =	vadd.f32 v9, v16;
	v24 =	vld.idx.msk [tilespmem:v10+s24+$0x0], $0xffff  }
0x11a: {  	v10 =	vld.idx.msk [tilespmem:v10+s25+$0x0], $0xffff;
	[tilespmem:s30+$0x16080] =	vst v21;
	v21 =	vadd.s32 s8, v0;
	s8 =	smov.u32 s12;
	s12 =	smov.u32 s2  }
0x11b: {  	v28 =	vsub.f32 v27, v23;
	v23 =	vadd.f32 v23, v27;
	v27 =	vld.idx.msk [tilespmem:v6+s25+$0x0], $0xffff;
	[tilespmem:s1+$0x12080] =	vst v13  }
0x11c: {  	v13 =	vld.idx.msk [tilespmem:v11+s24+$0x0], $0xffff;
	[tilespmem:s26+$0x16080] =	vst v17  }
0x11d: {  	v17 =	vsub.f32 v12, v18;
	v12 =	vadd.f32 v18, v12;
	v11 =	vld.idx.msk [tilespmem:v11+s25+$0x0], $0xffff;
	[tilespmem:s10+$0x10] =	vst v5  }
0x11e: {  	v5 =	vld.idx.msk [tilespmem:v20+s24+$0x0], $0xffff;
	[tilespmem:s30+$0x12080] =	vst v15  }
0x11f: {  	v9 =	vadd.s32 s20, v2;
	v15 =	vadd.s32 s9, v1;
	v18 =	vld.idx.msk [tilespmem:v21+s24+$0x0], $0xffff;
	[tilespmem:s0+$0xFFFFFFB0] =	vst v14;
	s0 =	smov.u32 s31;
	s31 =	smov.u32 s11  }
0x120: {  	v6 =	vsub.f32 v24, v10;
	v10 =	vadd.f32 v10, v24;
	v14 =	vld.idx.msk [tilespmem:v21+s25+$0x0], $0xffff;
	[tilespmem:s5+$0x30] =	vst v28  }
0x121: {  	s1 =	sor.u32 $0x50, s17;
	s10 =	sadd.s32 $0x100, s10;
	v21 =	vld.idx.msk [tilespmem:v26+s24+$0x0], $0xffff;
	[tilespmem:s11+$0x10] =	vst v16  }
0x122: {  	s11 =	sadd.s32 $0x100, s11;
	v16 =	vld.idx.msk [tilespmem:v22+s24+$0x0], $0xffff;
	[tilespmem:s1+$0x12080] =	vst v6  }
0x123: {  	v24 =	vadd.s32 s19, v2;
	v6 =	vadd.s32 s13, v1;
	v22 =	vld.idx.msk [tilespmem:v22+s25+$0x0], $0xffff;
	[tilespmem:s1+$0x16080] =	vst v10  }
0x124: {  	v10 =	vadd.s32 s7, v0;
	s7 =	smov.u32 s13;
	s13 =	smov.u32 s3;
	v26 =	vld.idx.msk [tilespmem:v15+s24+$0x0], $0xffff;
	[tilespmem:s0+$0x30] =	vst v23  }
0x125: {  	v23 =	vld.idx.msk [tilespmem:v25+s25+$0x0], $0xffff;
	[tilespmem:s5+$0xFFFFFFA0] =	vst v17;
	v17 =	vsub.f32 v4, v27  }
0x126: {  	s1 =	sor.u32 $0x60, s14;
	v28 =	vld.idx.msk [tilespmem:v25+s24+$0x0], $0xffff;
	[tilespmem:s0+$0xFFFFFFA0] =	vst v12;
	v12 =	vsub.f32 v18, v14;
	v25 =	vadd.f32 v27, v4  }
0x127: {  	v29 =	vadd.s32 s12, v2;
	v27 =	vsub.f32 v21, v19;
	v19 =	vadd.f32 v19, v21;
	v15 =	vld.idx.msk [tilespmem:v15+s25+$0x0], $0xffff;
	[tilespmem:s1+$0x12080] =	vst v17  }
0x128: {  	v30 =	vadd.f32 v11, v13;
	v14 =	vadd.f32 v14, v18;
	v17 =	vadd.s32 s29, v0;
	s29 =	smov.u32 s6;
	s6 =	smov.u32 s19;
	v4 =	vld.idx.msk [tilespmem:v6+s24+$0x0], $0xffff;
	[tilespmem:s1+$0x16080] =	vst v25  }
0x129: {  	v18 =	vsub.f32 v16, v22;
	v16 =	vadd.f32 v22, v16;
	[tilespmem:s10+$0xFFFFFF80] =	vst v27;
	v27 =	vld.idx.msk [tilespmem:v10+s24+$0x0], $0xffff  }
0x12a: {  	s1 =	sor.u32 $0x70, s15;
	s15 =	smov.u32 s21;
	[tilespmem:s11+$0xFFFFFF80] =	vst v19;
	v31 =	vld.idx.msk [tilespmem:v10+s25+$0x0], $0xffff  }
0x12b: {  	v13 =	vsub.f32 v13, v11;
	v10 =	vld.idx.msk [tilespmem:v24+s25+$0x0], $0xffff;
	[tilespmem:s1+$0x12080] =	vst v12  }
0x12c: {  	v21 =	vsub.f32 v28, v23;
	v11 =	vld.idx.msk [tilespmem:v24+s24+$0x0], $0xffff;
	[tilespmem:s1+$0x16080] =	vst v14  }
0x12d: {  	v32 =	vsub.f32 v26, v15;
	v25 =	vadd.f32 v15, v26;
	[tilespmem:s10+$0xFFFFFFC0] =	vst v18;
	v14 =	vld.idx.msk [tilespmem:v17+s24+$0x0], $0xffff  }
.Ltmp1:
0x12e: {  	v22 =	vadd.f32 v23, v28;
	[tilespmem:s11+$0xFFFFFFC0] =	vst v16;
	v15 =	vld.idx.msk [tilespmem:v20+s25+$0x0], $0xffff;
	(pc) =	sbr.rel @p0 .LBB2_4-.Ltmp1, $4  }
0x12f: {  	v23 =	vadd.s32 s9, v0;
	s9 =	smov.u32 s20;
	[tilespmem:s10+$0x0] =	vst v13;
	v17 =	vld.idx.msk [tilespmem:v17+s25+$0x0], $0xffff  }
0x130: {  	v13 =	vsub.f32 v27, v31;
	v24 =	vadd.f32 v31, v27;
	v19 =	vld.idx.msk [tilespmem:v29+s25+$0x0], $0xffff;
	[tilespmem:s4+$0xFFFFFF90] =	vst v8  }
0x131: {  	v18 =	vadd.s32 s29, v1;
	v20 =	vld.idx.msk [tilespmem:v29+s24+$0x0], $0xffff;
	[tilespmem:s11+$0x0] =	vst v30  }
0x132: {  	s17 =	sadd.s32 $0x100, s17;
	s19 =	sadd.s32 $0x200, s19;
	v12 =	vadd.f32 v10, v11;
	v16 =	vld.idx.msk [tilespmem:v9+s24+$0x0], $0xffff;
	[tilespmem:s4+$0x20] =	vst v32  }
0x133: {  	[tilespmem:s31+$0x20] =	vst v25  }
0x134: {  	[tilespmem:s10+$0x40] =	vst v21  }
0x135: {  	[tilespmem:s31+$0xFFFFFF90] =	vst v7  }
0x136: {  	v8 =	vadd.s32 s13, v2;
	s1 =	sor.u32 $0x70, s14;
	[tilespmem:s11+$0x40] =	vst v22  }
0x137: {  	v10 =	vsub.f32 v11, v10;
	[tilespmem:s1+$0x16080] =	vst v24  }
0x138: {  	v7 =	vld.idx.msk [tilespmem:v9+s25+$0x0], $0xffff;
	v9 =	vsub.f32 v14, v17;
	[tilespmem:s1+$0x12080] =	vst v13  }
0x139: {  	v22 =	vadd.f32 v15, v5;
	v24 =	vld.idx.msk [tilespmem:v23+s24+$0x0], $0xffff;
	[tilespmem:s10+$0xFFFFFF90] =	vst v10  }
0x13a: {  	s3 =	sor.u32 $0x60, s15;
	v5 =	vsub.f32 v5, v15;
	[tilespmem:s5+$0xFFFFFFB0] =	vst v9;
	v9 =	vld.idx.msk [tilespmem:v23+s25+$0x0], $0xffff  }
0x13b: {  	s30 =	sadd.s32 $0xFFFFFF80, s17;
	v21 =	vsub.f32 v20, v19;
	v19 =	vadd.f32 v19, v20;
	[tilespmem:s3+$0x16080] =	vst v22;
	v20 =	vld.idx.msk [tilespmem:v8+s24+$0x0], $0xffff  }
0x13c: {  	s2 =	sor.u32 $0x50, s30;
	v13 =	vadd.s32 s8, v0;
	v14 =	vadd.f32 v17, v14;
	[tilespmem:s3+$0x12080] =	vst v5;
	v8 =	vld.idx.msk [tilespmem:v8+s25+$0x0], $0xffff  }
0x13d: {  	[tilespmem:s2+$0x12080] =	vst v21;
	v21 =	vsub.f32 v16, v7  }
0x13e: {  	v6 =	vld.idx.msk [tilespmem:v6+s25+$0x0], $0xffff;
	[tilespmem:s0+$0xFFFFFFB0] =	vst v14;
	v7 =	vadd.f32 v7, v16  }
0x13f: {  	v5 =	vld.idx.msk [tilespmem:v18+s24+$0x0], $0xffff;
	[tilespmem:s10+$0x10] =	vst v21  }
0x140: {  	v14 =	vld.idx.msk [tilespmem:v18+s25+$0x0], $0xffff;
	v16 =	vadd.s32 s9, v1;
	v15 =	vsub.f32 v24, v9;
	[tilespmem:s11+$0x10] =	vst v7;
	v7 =	vadd.f32 v9, v24  }
0x141: {  	[tilespmem:s2+$0x16080] =	vst v19;
	v9 =	vld.idx.msk [tilespmem:v13+s25+$0x0], $0xffff;
	v18 =	vsub.f32 v20, v8;
	v8 =	vadd.f32 v8, v20  }
0x142: {  	s2 =	sor.u32 $0x50, s17;
	[tilespmem:s4+$0x30] =	vst v15;
	v15 =	vld.idx.msk [tilespmem:v13+s24+$0x0], $0xffff;
	v13 =	vadd.s32 s7, v0  }
0x143: {  	[tilespmem:s2+$0x16080] =	vst v8;
	v8 =	vsub.f32 v4, v6  }
0x144: {  	v17 =	vadd.s32 s12, v1;
	s3 =	sor.u32 $0x60, s16;
	[tilespmem:s31+$0x30] =	vst v7;
	v4 =	vadd.f32 v6, v4  }
0x145: {  	v19 =	vld.idx.msk [tilespmem:v16+s24+$0x0], $0xffff;
	v6 =	vsub.f32 v5, v14;
	[tilespmem:s3+$0x12080] =	vst v8  }
0x146: {  	v7 =	vadd.s32 s13, v1;
	v5 =	vadd.f32 v14, v5;
	v8 =	vld.idx.msk [tilespmem:v16+s25+$0x0], $0xffff;
	[tilespmem:s3+$0x16080] =	vst v4  }
0x147: {  	[tilespmem:s4+$0xFFFFFFA0] =	vst v6;
	v6 =	vld.idx.msk [tilespmem:v13+s24+$0x0], $0xffff  }
0x148: {  	v14 =	vadd.s32 s6, v1;
	v4 =	vsub.f32 v15, v9;
	[tilespmem:s31+$0xFFFFFFA0] =	vst v5;
	v5 =	vld.idx.msk [tilespmem:v13+s25+$0x0], $0xffff  }
0x149: {  	s5 =	sor.u32 $0x70, s15;
	[tilespmem:s2+$0x12080] =	vst v18;
	v18 =	vld.idx.msk [tilespmem:v17+s24+$0x0], $0xffff  }
0x14a: {  	v11 =	vadd.s32 s29, v0;
	v9 =	vadd.f32 v9, v15;
	[tilespmem:s5+$0x12080] =	vst v4;
	v4 =	vld.idx.msk [tilespmem:v17+s25+$0x0], $0xffff  }
0x14b: {  	[tilespmem:s11+$0xFFFFFF90] =	vst v12;
	v13 =	vld.idx.msk [tilespmem:v7+s24+$0x0], $0xffff;
	v10 =	vsub.f32 v19, v8  }
0x14c: {  	v15 =	vadd.s32 s9, v0;
	v7 =	vld.idx.msk [tilespmem:v7+s25+$0x0], $0xffff;
	[tilespmem:s5+$0x16080] =	vst v9;
	v8 =	vadd.f32 v8, v19  }
0x14d: {  	v9 =	vld.idx.msk [tilespmem:v14+s24+$0x0], $0xffff;
	v12 =	vadd.f32 v5, v6;
	[tilespmem:s10+$0x20] =	vst v10  }
0x14e: {  	s7 =	sor.u32 $0x70, s16;
	v5 =	vsub.f32 v6, v5;
	v10 =	vld.idx.msk [tilespmem:v14+s25+$0x0], $0xffff;
	v14 =	vadd.s32 s12, v0;
	[tilespmem:s11+$0x20] =	vst v8  }
0x14f: {  	v16 =	vld.idx.msk [tilespmem:v11+s24+$0x0], $0xffff;
	v8 =	vadd.f32 v4, v18;
	[tilespmem:s7+$0x16080] =	vst v12  }
0x150: {  	s8 =	sor.u32 $0x60, s30;
	v11 =	vld.idx.msk [tilespmem:v11+s25+$0x0], $0xffff;
	v4 =	vsub.f32 v18, v4;
	v12 =	vadd.s32 s13, v0;
	[tilespmem:s7+$0x12080] =	vst v5  }
0x151: {  	v17 =	vld.idx.msk [tilespmem:v15+s24+$0x0], $0xffff;
	[tilespmem:s8+$0x16080] =	vst v8;
	v8 =	vsub.f32 v13, v7  }
0x152: {  	s9 =	sor.u32 $0x60, s17;
	v15 =	vld.idx.msk [tilespmem:v15+s25+$0x0], $0xffff;
	[tilespmem:s8+$0x12080] =	vst v4;
	v4 =	vadd.f32 v7, v13;
	v7 =	vadd.s32 s6, v0  }
0x153: {  	v13 =	vsub.f32 v9, v10;
	v18 =	vld.idx.msk [tilespmem:v14+s24+$0x0], $0xffff;
	[tilespmem:s9+$0x12080] =	vst v8  }
0x154: {  	v8 =	vadd.f32 v10, v9;
	v9 =	vld.idx.msk [tilespmem:v14+s25+$0x0], $0xffff;
	[tilespmem:s9+$0x16080] =	vst v4  }
0x155: {  	v4 =	vsub.f32 v16, v11;
	v10 =	vld.idx.msk [tilespmem:v12+s24+$0x0], $0xffff;
	[tilespmem:s10+$0xFFFFFFA0] =	vst v13  }
0x156: {  	v6 =	vld.idx.msk [tilespmem:v12+s25+$0x0], $0xffff;
	[tilespmem:s11+$0xFFFFFFA0] =	vst v8;
	v8 =	vadd.f32 v11, v16  }
0x157: {  	[tilespmem:s4+$0xFFFFFFB0] =	vst v4;
	v11 =	vsub.f32 v17, v15;
	v4 =	vld.idx.msk [tilespmem:v7+s24+$0x0], $0xffff  }
0x158: {  	v5 =	vld.idx.msk [tilespmem:v7+s25+$0x0], $0xffff;
	v7 =	vadd.f32 v15, v17;
	[tilespmem:s31+$0xFFFFFFB0] =	vst v8  }
0x159: {  	[tilespmem:s10+$0x30] =	vst v11;
	v8 =	vsub.f32 v18, v9  }
0x15a: {  	s12 =	sor.u32 $0x70, s30;
	[tilespmem:s11+$0x30] =	vst v7;
	v7 =	vadd.f32 v9, v18  }
0x15b: {  	[tilespmem:s12+$0x12080] =	vst v8;
	v8 =	vadd.f32 v6, v10  }
0x15c: {  	s13 =	sor.u32 $0x70, s17;
	v6 =	vsub.f32 v10, v6;
	[tilespmem:s12+$0x16080] =	vst v7  }
0x15d: {  	v7 =	vsub.f32 v4, v5;
	[tilespmem:s13+$0x16080] =	vst v8  }
0x15e: {  	v4 =	vadd.f32 v5, v4;
	[tilespmem:s13+$0x12080] =	vst v6  }
0x15f: {  	[tilespmem:s10+$0xFFFFFFB0] =	vst v7  }
0x160: {  	[tilespmem:s11+$0xFFFFFFB0] =	vst v4  }
0x161: {  	s14 =	simm.s32 $0x12080;
	s11 =	simm.s32 $0x0;
	s0 =	rddreg [dreg:$0xd]  }
0x162: {  	[hbm4b:s0+s11] =	stream.linear.scatter [tilespmem:s14], [sflag:$0x4], $0x2000, $0x38;
	[tilespmem:$0x18080] =	vst v63  }
0x163: {  	s16 =	simm.s32 $0x16080;
	s15 =	rddreg [dreg:$0xe]  }
0x164: {  	[hbm4b:s15+s11] =	stream.linear.scatter [tilespmem:s16], [sflag:$0x4], $0x2000, $0x38;
	[tilespmem:$0x18080] =	vst v63  }
0x165: {  	s17 =	rddreg [dreg:$0xf]  }
0x166: {  	[tilespmem:s24], [sflag:$0x2] =	stream.linear.gather [hbm4b:s17+s11], $0x4000, $0x38;
	[tilespmem:$0x18080] =	vst v63  }
0x167: {  	s19 =	simm.s32 $0x1;
	s18 =	rddreg [dreg:$0x10]  }
0x168: {  	[tilespmem:s25], [sflag:$0x2] =	stream.linear.gather [hbm4b:s18+s11], $0x4000, $0x38;
	[tilespmem:$0x18080] =	vst v63  }
0x169: {  	_ =	swait.ge [sflag:s19], $0x4000  }
0x16a: {  	[sflag:s19] =	ssyncset.done $0x0  }
0x16b: {  	[sflag:s19] =	ssyncadd.s32 $0xFFFFC000  }
0x16c: {  	_ =	swait.ge [sflag:s19], $0x4000  }
0x16d: {  	[sflag:s19] =	ssyncset.done $0x0  }
0x16e: {  	s20 =	simm.s32 $0x3;
	[sflag:s19] =	ssyncadd.s32 $0xFFFFC000  }
0x16f: {  	_ =	swait.ge [sflag:s20], $0x2000  }
0x170: {  	v4 =	vadd.s32 s11, v3;
	[sflag:s20] =	ssyncset.done $0x0  }
0x171: {  	s21 =	simm.s32 $0x80;
	[sflag:s20] =	ssyncadd.s32 $0xFFFFE000  }
0x172: {  	v5 =	vadd.s32 s21, v3;
	_ =	swait.ge [sflag:s20], $0x2000  }
0x173: {  	s26 =	simm.s32 $0x100;
	[sflag:s20] =	ssyncset.done $0x0  }
0x174: {  	v6 =	vadd.s32 s26, v3;
	[sflag:s20] =	ssyncadd.s32 $0xFFFFE000  }
0x175: {  	s30 =	simm.s32 $0x180;
	v7 =	vld.idx.msk [tilespmem:v4+s23+$0x0], $0xffff  }
0x176: {  	v8 =	vadd.s32 s30, v3;
	v4 =	vld.idx.msk [tilespmem:v4+s22+$0x0], $0xffff  }
0x177: {  	v9 =	vld.idx.msk [tilespmem:v5+s22+$0x0], $0xffff  }
0x178: {  	v5 =	vld.idx.msk [tilespmem:v5+s23+$0x0], $0xffff  }
0x179: {  	v10 =	vld.idx.msk [tilespmem:v6+s22+$0x0], $0xffff  }
0x17a: {  	v11 =	vadd.s32 s11, v2;
	v6 =	vld.idx.msk [tilespmem:v6+s23+$0x0], $0xffff  }
0x17b: {  	v13 =	vld.idx.msk [tilespmem:v8+s23+$0x0], $0xffff;
	v12 =	vsub.f32 v4, v7  }
0x17c: {  	s5 =	simm.s32 $0x10100;
	v8 =	vld.idx.msk [tilespmem:v8+s22+$0x0], $0xffff;
	v4 =	vadd.f32 v7, v4;
	v7 =	vadd.s32 s21, v2  }
0x17d: {  	s0 =	simm.s32 $0x14100;
	[tilespmem:s5+$0xFFFFFF80] =	vst v12;
	v12 =	vsub.f32 v9, v5  }
0x17e: {  	v14 =	vadd.s32 s26, v2;
	v5 =	vadd.f32 v5, v9;
	[tilespmem:s0+$0xFFFFFF80] =	vst v4  }
0x17f: {  	v9 =	vsub.f32 v10, v6;
	v4 =	vld.idx.msk [tilespmem:v11+s23+$0x0], $0xffff;
	[tilespmem:s5+$0xFFFFFFC0] =	vst v12  }
0x180: {  	v6 =	vadd.f32 v6, v10;
	v10 =	vld.idx.msk [tilespmem:v11+s22+$0x0], $0xffff;
	v11 =	vadd.s32 s30, v2;
	[tilespmem:s0+$0xFFFFFFC0] =	vst v5  }
0x181: {  	s29 =	simm.s32 $0x200;
	[tilespmem:s5+$0x0] =	vst v9;
	v12 =	vsub.f32 v8, v13;
	v9 =	vld.idx.msk [tilespmem:v7+s23+$0x0], $0xffff  }
0x182: {  	v5 =	vadd.s32 s29, v3;
	[tilespmem:s0+$0x0] =	vst v6;
	v6 =	vadd.f32 v13, v8;
	v7 =	vld.idx.msk [tilespmem:v7+s22+$0x0], $0xffff  }
0x183: {  	s17 =	simm.s32 $0x300;
	v8 =	vld.idx.msk [tilespmem:v14+s22+$0x0], $0xffff;
	[tilespmem:s5+$0x40] =	vst v12  }
0x184: {  	v13 =	vadd.s32 s17, v3;
	v14 =	vld.idx.msk [tilespmem:v14+s23+$0x0], $0xffff;
	[tilespmem:s0+$0x40] =	vst v6  }
0x185: {  	s8 =	simm.s32 $0x280;
	v15 =	vld.idx.msk [tilespmem:v11+s22+$0x0], $0xffff  }
0x186: {  	v17 =	vadd.s32 s8, v3;
	v11 =	vld.idx.msk [tilespmem:v11+s23+$0x0], $0xffff  }
0x187: {  	v12 =	vadd.s32 s21, v1;
	v6 =	vld.idx.msk [tilespmem:v5+s23+$0x0], $0xffff  }
0x188: {  	s7 =	simm.s32 $0x380;
	s18 =	simm.s32 $0x40;
	v5 =	vld.idx.msk [tilespmem:v5+s22+$0x0], $0xffff;
	v16 =	vsub.f32 v7, v9  }
0x189: {  	v18 =	vadd.s32 s7, v3;
	s15 =	sor.u32 $0x50, s18;
	v7 =	vadd.f32 v9, v7;
	v9 =	vld.idx.msk [tilespmem:v13+s22+$0x0], $0xffff  }
0x18a: {  	v13 =	vld.idx.msk [tilespmem:v13+s23+$0x0], $0xffff;
	v19 =	vsub.f32 v8, v14;
	[tilespmem:s15+$0x10080] =	vst v16  }
0x18b: {  	v16 =	vadd.s32 s26, v1;
	[tilespmem:s15+$0x14080] =	vst v7;
	v7 =	vadd.f32 v14, v8;
	v14 =	vld.idx.msk [tilespmem:v17+s22+$0x0], $0xffff  }
0x18c: {  	s14 =	simm.s32 $0xC0;
	[tilespmem:s5+$0x10] =	vst v19;
	v8 =	vld.idx.msk [tilespmem:v12+s22+$0x0], $0xffff;
	v19 =	vsub.f32 v15, v11  }
0x18d: {  	s16 =	sor.u32 $0x50, s14;
	v11 =	vadd.f32 v11, v15;
	v15 =	vadd.s32 s29, v2;
	[tilespmem:s0+$0x10] =	vst v7;
	v7 =	vld.idx.msk [tilespmem:v17+s23+$0x0], $0xffff  }
0x18e: {  	v21 =	vsub.f32 v5, v6;
	[tilespmem:s16+$0x10080] =	vst v19;
	v19 =	vld.idx.msk [tilespmem:v18+s23+$0x0], $0xffff  }
0x18f: {  	s4 =	simm.s32 $0x10200;
	v17 =	vadd.s32 s30, v1;
	v5 =	vadd.f32 v6, v5;
	[tilespmem:s16+$0x14080] =	vst v11;
	v11 =	vld.idx.msk [tilespmem:v18+s22+$0x0], $0xffff  }
0x190: {  	s31 =	simm.s32 $0x14200;
	[tilespmem:s4+$0xFFFFFF80] =	vst v21;
	v20 =	vld.idx.msk [tilespmem:v16+s22+$0x0], $0xffff  }
0x191: {  	v6 =	vadd.s32 s8, v2;
	v16 =	vld.idx.msk [tilespmem:v16+s23+$0x0], $0xffff;
	[tilespmem:s31+$0xFFFFFF80] =	vst v5  }
0x192: {  	v22 =	vld.idx.msk [tilespmem:v15+s23+$0x0], $0xffff;
	v21 =	vsub.f32 v14, v7  }
0x193: {  	v5 =	vadd.s32 s17, v2;
	v15 =	vld.idx.msk [tilespmem:v15+s22+$0x0], $0xffff;
	v7 =	vadd.f32 v7, v14  }
0x194: {  	v18 =	vld.idx.msk [tilespmem:v17+s22+$0x0], $0xffff;
	v14 =	vsub.f32 v9, v13;
	[tilespmem:s4+$0xFFFFFFC0] =	vst v21  }
0x195: {  	v9 =	vadd.f32 v13, v9;
	[tilespmem:s31+$0xFFFFFFC0] =	vst v7;
	v7 =	vld.idx.msk [tilespmem:v12+s23+$0x0], $0xffff;
	v12 =	vadd.s32 s26, v0  }
0x196: {  	[tilespmem:s4+$0x0] =	vst v14;
	v13 =	vsub.f32 v20, v16;
	v14 =	vld.idx.msk [tilespmem:v6+s23+$0x0], $0xffff  }
0x197: {  	v16 =	vadd.f32 v16, v20;
	[tilespmem:s31+$0x0] =	vst v9;
	v9 =	vadd.s32 s11, v1;
	v6 =	vld.idx.msk [tilespmem:v6+s22+$0x0], $0xffff  }
0x198: {  	s6 =	simm.s32 $0x400;
	v20 =	vsub.f32 v10, v4;
	v21 =	vld.idx.msk [tilespmem:v5+s22+$0x0], $0xffff;
	[tilespmem:s5+$0x20] =	vst v13  }
0x199: {  	v4 =	vadd.f32 v4, v10;
	v10 =	vadd.s32 s6, v3;
	v13 =	vld.idx.msk [tilespmem:v5+s23+$0x0], $0xffff;
	[tilespmem:s0+$0x20] =	vst v16  }
0x19a: {  	[tilespmem:s5+$0xFFFFFF90] =	vst v20;
	v5 =	vadd.s32 s7, v2;
	v16 =	vld.idx.msk [tilespmem:v12+s22+$0x0], $0xffff  }
0x19b: {  	v20 =	vsub.f32 v11, v19;
	[tilespmem:s0+$0xFFFFFF90] =	vst v4;
	v4 =	vld.idx.msk [tilespmem:v12+s23+$0x0], $0xffff  }
0x19c: {  	v11 =	vadd.f32 v19, v11;
	v12 =	vld.idx.msk [tilespmem:v9+s22+$0x0], $0xffff  }
0x19d: {  	s9 =	simm.s32 $0x500;
	[tilespmem:s4+$0x40] =	vst v20;
	v9 =	vld.idx.msk [tilespmem:v9+s23+$0x0], $0xffff  }
0x19e: {  	v19 =	vadd.s32 s9, v3;
	[tilespmem:s31+$0x40] =	vst v11;
	v11 =	vld.idx.msk [tilespmem:v10+s23+$0x0], $0xffff;
	v25 =	vadd.f32 v7, v8  }
0x19f: {  	s20 =	sor.u32 $0x60, s18;
	s15 =	simm.s32 $0x140;
	v20 =	vsub.f32 v6, v14;
	v24 =	vld.idx.msk [tilespmem:v5+s22+$0x0], $0xffff  }
0x1a0: {  	v23 =	vadd.s32 s8, v1;
	s19 =	sor.u32 $0x50, s15;
	v26 =	vld.idx.msk [tilespmem:v5+s23+$0x0], $0xffff;
	v5 =	vadd.f32 v14, v6;
	[tilespmem:s20+$0x14080] =	vst v25  }
0x1a1: {  	v27 =	vadd.s32 s21, v0;
	v10 =	vld.idx.msk [tilespmem:v10+s22+$0x0], $0xffff;
	v6 =	vsub.f32 v8, v7;
	[tilespmem:s19+$0x10080] =	vst v20  }
0x1a2: {  	s12 =	simm.s32 $0x480;
	v14 =	vld.idx.msk [tilespmem:v17+s23+$0x0], $0xffff;
	v17 =	vsub.f32 v21, v13;
	[tilespmem:s19+$0x14080] =	vst v5  }
0x1a3: {  	v8 =	vld.idx.msk [tilespmem:v19+s22+$0x0], $0xffff;
	v7 =	vadd.s32 s12, v3;
	[tilespmem:s20+$0x10080] =	vst v6;
	v6 =	vadd.f32 v13, v21  }
0x1a4: {  	v19 =	vld.idx.msk [tilespmem:v19+s23+$0x0], $0xffff;
	[tilespmem:s4+$0x10] =	vst v17;
	v20 =	vsub.f32 v16, v4  }
0x1a5: {  	s13 =	simm.s32 $0x580;
	v13 =	vadd.s32 s17, v1;
	v5 =	vld.idx.msk [tilespmem:v23+s22+$0x0], $0xffff;
	v4 =	vadd.f32 v4, v16;
	[tilespmem:s31+$0x10] =	vst v6  }
0x1a6: {  	s16 =	simm.s32 $0x1C0;
	v21 =	vadd.s32 s13, v3;
	v17 =	vld.idx.msk [tilespmem:v27+s22+$0x0], $0xffff;
	v25 =	vsub.f32 v24, v26;
	[tilespmem:s5+$0x30] =	vst v20  }
0x1a7: {  	s21 =	sor.u32 $0x50, s16;
	v27 =	vld.idx.msk [tilespmem:v27+s23+$0x0], $0xffff;
	v20 =	vadd.f32 v26, v24;
	v24 =	vsub.f32 v12, v9;
	[tilespmem:s0+$0x30] =	vst v4  }
0x1a8: {  	v16 =	vld.idx.msk [tilespmem:v7+s22+$0x0], $0xffff;
	v9 =	vadd.f32 v9, v12;
	[tilespmem:s21+$0x10080] =	vst v25  }
0x1a9: {  	v6 =	vadd.s32 s7, v1;
	v7 =	vld.idx.msk [tilespmem:v7+s23+$0x0], $0xffff;
	[tilespmem:s5+$0xFFFFFFA0] =	vst v24  }
0x1aa: {  	v12 =	vld.idx.msk [tilespmem:v13+s22+$0x0], $0xffff;
	[tilespmem:s0+$0xFFFFFFA0] =	vst v9;
	v9 =	vadd.f32 v14, v18  }
0x1ab: {  	s26 =	sor.u32 $0x60, s14;
	v4 =	vsub.f32 v18, v14;
	[tilespmem:s21+$0x14080] =	vst v20;
	v20 =	vadd.s32 s30, v0;
	v26 =	vld.idx.msk [tilespmem:v21+s23+$0x0], $0xffff;
	v14 =	vsub.f32 v10, v11  }
0x1ac: {  	s10 =	simm.s32 $0x10300;
	v28 =	vld.idx.msk [tilespmem:v21+s22+$0x0], $0xffff;
	v10 =	vadd.f32 v11, v10;
	[tilespmem:s26+$0x14080] =	vst v9  }
0x1ad: {  	v24 =	vadd.s32 s6, v2;
	v13 =	vld.idx.msk [tilespmem:v13+s23+$0x0], $0xffff;
	v9 =	vsub.f32 v17, v27;
	[tilespmem:s10+$0xFFFFFF80] =	vst v14;
	v14 =	vadd.f32 v27, v17  }
0x1ae: {  	[tilespmem:s26+$0x10080] =	vst v4;
	v4 =	vld.idx.msk [tilespmem:v6+s22+$0x0], $0xffff;
	v17 =	vsub.f32 v16, v7;
	v16 =	vadd.f32 v7, v16  }
0x1af: {  	v18 =	vadd.s32 s11, v0;
	s11 =	simm.s32 $0x14300;
	v7 =	vadd.f32 v22, v15;
	v22 =	vsub.f32 v15, v22;
	v15 =	vld.idx.msk [tilespmem:v23+s23+$0x0], $0xffff  }
0x1b0: {  	s30 =	sor.u32 $0x70, s18;
	[tilespmem:s11+$0xFFFFFF80] =	vst v10;
	v29 =	vld.idx.msk [tilespmem:v20+s22+$0x0], $0xffff  }
0x1b1: {  	v27 =	vld.idx.msk [tilespmem:v20+s23+$0x0], $0xffff;
	v20 =	vadd.s32 s12, v2;
	[tilespmem:s30+$0x10080] =	vst v9  }
0x1b2: {  	v10 =	vld.idx.msk [tilespmem:v24+s23+$0x0], $0xffff;
	[tilespmem:s30+$0x14080] =	vst v14  }
0x1b3: {  	v11 =	vld.idx.msk [tilespmem:v24+s22+$0x0], $0xffff;
	v9 =	vadd.s32 s9, v2;
	[tilespmem:s10+$0xFFFFFFC0] =	vst v17  }
0x1b4: {  	v24 =	vsub.f32 v8, v19;
	[tilespmem:s4+$0xFFFFFF90] =	vst v22;
	v14 =	vld.idx.msk [tilespmem:v18+s22+$0x0], $0xffff  }
0x1b5: {  	v23 =	vadd.s32 s17, v0;
	v8 =	vadd.f32 v19, v8;
	v21 =	vsub.f32 v28, v26;
	[tilespmem:s11+$0xFFFFFFC0] =	vst v16;
	v17 =	vld.idx.msk [tilespmem:v18+s23+$0x0], $0xffff  }
0x1b6: {  	v30 =	vsub.f32 v12, v13;
	v25 =	vadd.f32 v13, v12;
	[tilespmem:s10+$0x0] =	vst v24;
	v19 =	vld.idx.msk [tilespmem:v20+s23+$0x0], $0xffff  }
0x1b7: {  	v22 =	vadd.f32 v26, v28;
	v18 =	vadd.s32 s29, v1;
	[tilespmem:s11+$0x0] =	vst v8;
	v13 =	vsub.f32 v29, v27;
	v20 =	vld.idx.msk [tilespmem:v20+s22+$0x0], $0xffff  }
0x1b8: {  	s19 =	simm.s32 $0x600;
	s18 =	simm.s32 $0x8;
	s17 =	simm.s32 $0x2C0;
	[tilespmem:s4+$0x20] =	vst v30;
	v24 =	vadd.f32 v27, v29;
	v12 =	vadd.f32 v10, v11;
	v16 =	vld.idx.msk [tilespmem:v9+s22+$0x0], $0xffff  }
.LBB2_6:
0x1b9: {  	v26 =	vadd.s32 s19, v3;
	s20 =	sadd.s32 $0x100, s19;
	s3 =	sadd.s32 $0x180, s19;
	s18 =	sadd.s32 $0x4, s18;
	v8 =	vsub.f32 v11, v10;
	v9 =	vld.idx.msk [tilespmem:v9+s23+$0x0], $0xffff;
	v10 =	vadd.s32 s13, v2;
	[tilespmem:s31+$0x20] =	vst v25  }
0x1ba: {  	v11 =	vadd.s32 s20, v3;
	v25 =	vadd.s32 s3, v3;
	p0 =	slt.u32 s18, $0x7C;
	[tilespmem:s10+$0x40] =	vst v21;
	v21 =	vadd.f32 v15, v5;
	v27 =	vld.idx.msk [tilespmem:v23+s22+$0x0], $0xffff  }
0x1bb: {  	v28 =	vsub.f32 v14, v17;
	v14 =	vadd.f32 v17, v14;
	[tilespmem:s31+$0xFFFFFF90] =	vst v7;
	v23 =	vld.idx.msk [tilespmem:v23+s23+$0x0], $0xffff;
	v7 =	vmov v12  }
0x1bc: {  	s1 =	sor.u32 $0x70, s14;
	s14 =	smov.u32 s16;
	s16 =	smov.u32 s17;
	v15 =	vsub.f32 v5, v15;
	[tilespmem:s11+$0x40] =	vst v22;
	v12 =	vld.idx.msk [tilespmem:v18+s22+$0x0], $0xffff  }
0x1bd: {  	s21 =	sadd.s32 $0xFFFFFF80, s17;
	v5 =	vsub.f32 v20, v19;
	v17 =	vadd.f32 v19, v20;
	v18 =	vld.idx.msk [tilespmem:v18+s23+$0x0], $0xffff;
	[tilespmem:s1+$0x14080] =	vst v24  }
0x1be: {  	s2 =	sadd.s32 $0x80, s19;
	s26 =	sor.u32 $0x50, s21;
	v20 =	vadd.s32 s12, v1;
	v19 =	vld.idx.msk [tilespmem:v26+s23+$0x0], $0xffff;
	[tilespmem:s5+$0xFFFFFFB0] =	vst v28;
	s5 =	smov.u32 s4  }
0x1bf: {  	s30 =	sor.u32 $0x60, s15;
	v22 =	vadd.s32 s2, v3;
	s4 =	smov.u32 s10;
	[tilespmem:s26+$0x10080] =	vst v5;
	v5 =	vsub.f32 v16, v9;
	v16 =	vadd.f32 v9, v16;
	v24 =	vld.idx.msk [tilespmem:v10+s22+$0x0], $0xffff  }
0x1c0: {  	v10 =	vld.idx.msk [tilespmem:v10+s23+$0x0], $0xffff;
	[tilespmem:s30+$0x14080] =	vst v21;
	v21 =	vadd.s32 s8, v0;
	s8 =	smov.u32 s12;
	s12 =	smov.u32 s2  }
0x1c1: {  	v28 =	vsub.f32 v27, v23;
	v23 =	vadd.f32 v23, v27;
	v27 =	vld.idx.msk [tilespmem:v6+s23+$0x0], $0xffff;
	[tilespmem:s1+$0x10080] =	vst v13  }
0x1c2: {  	v13 =	vld.idx.msk [tilespmem:v11+s22+$0x0], $0xffff;
	[tilespmem:s26+$0x14080] =	vst v17  }
0x1c3: {  	v17 =	vsub.f32 v12, v18;
	v12 =	vadd.f32 v18, v12;
	v11 =	vld.idx.msk [tilespmem:v11+s23+$0x0], $0xffff;
	[tilespmem:s10+$0x10] =	vst v5  }
0x1c4: {  	v5 =	vld.idx.msk [tilespmem:v20+s22+$0x0], $0xffff;
	[tilespmem:s30+$0x10080] =	vst v15  }
0x1c5: {  	v9 =	vadd.s32 s20, v2;
	v15 =	vadd.s32 s9, v1;
	v18 =	vld.idx.msk [tilespmem:v21+s22+$0x0], $0xffff;
	[tilespmem:s0+$0xFFFFFFB0] =	vst v14;
	s0 =	smov.u32 s31;
	s31 =	smov.u32 s11  }
0x1c6: {  	v6 =	vsub.f32 v24, v10;
	v10 =	vadd.f32 v10, v24;
	v14 =	vld.idx.msk [tilespmem:v21+s23+$0x0], $0xffff;
	[tilespmem:s5+$0x30] =	vst v28  }
0x1c7: {  	s1 =	sor.u32 $0x50, s17;
	s10 =	sadd.s32 $0x100, s10;
	v21 =	vld.idx.msk [tilespmem:v26+s22+$0x0], $0xffff;
	[tilespmem:s11+$0x10] =	vst v16  }
0x1c8: {  	s11 =	sadd.s32 $0x100, s11;
	v16 =	vld.idx.msk [tilespmem:v22+s22+$0x0], $0xffff;
	[tilespmem:s1+$0x10080] =	vst v6  }
0x1c9: {  	v24 =	vadd.s32 s19, v2;
	v6 =	vadd.s32 s13, v1;
	v22 =	vld.idx.msk [tilespmem:v22+s23+$0x0], $0xffff;
	[tilespmem:s1+$0x14080] =	vst v10  }
0x1ca: {  	v10 =	vadd.s32 s7, v0;
	s7 =	smov.u32 s13;
	s13 =	smov.u32 s3;
	v26 =	vld.idx.msk [tilespmem:v15+s22+$0x0], $0xffff;
	[tilespmem:s0+$0x30] =	vst v23  }
0x1cb: {  	v23 =	vld.idx.msk [tilespmem:v25+s23+$0x0], $0xffff;
	[tilespmem:s5+$0xFFFFFFA0] =	vst v17;
	v17 =	vsub.f32 v4, v27  }
0x1cc: {  	s1 =	sor.u32 $0x60, s14;
	v28 =	vld.idx.msk [tilespmem:v25+s22+$0x0], $0xffff;
	[tilespmem:s0+$0xFFFFFFA0] =	vst v12;
	v12 =	vsub.f32 v18, v14;
	v25 =	vadd.f32 v27, v4  }
0x1cd: {  	v29 =	vadd.s32 s12, v2;
	v27 =	vsub.f32 v21, v19;
	v19 =	vadd.f32 v19, v21;
	v15 =	vld.idx.msk [tilespmem:v15+s23+$0x0], $0xffff;
	[tilespmem:s1+$0x10080] =	vst v17  }
0x1ce: {  	v30 =	vadd.f32 v11, v13;
	v14 =	vadd.f32 v14, v18;
	v17 =	vadd.s32 s29, v0;
	s29 =	smov.u32 s6;
	s6 =	smov.u32 s19;
	v4 =	vld.idx.msk [tilespmem:v6+s22+$0x0], $0xffff;
	[tilespmem:s1+$0x14080] =	vst v25  }
0x1cf: {  	v18 =	vsub.f32 v16, v22;
	v16 =	vadd.f32 v22, v16;
	[tilespmem:s10+$0xFFFFFF80] =	vst v27;
	v27 =	vld.idx.msk [tilespmem:v10+s22+$0x0], $0xffff  }
0x1d0: {  	s1 =	sor.u32 $0x70, s15;
	s15 =	smov.u32 s21;
	[tilespmem:s11+$0xFFFFFF80] =	vst v19;
	v31 =	vld.idx.msk [tilespmem:v10+s23+$0x0], $0xffff  }
0x1d1: {  	v13 =	vsub.f32 v13, v11;
	v10 =	vld.idx.msk [tilespmem:v24+s23+$0x0], $0xffff;
	[tilespmem:s1+$0x10080] =	vst v12  }
0x1d2: {  	v21 =	vsub.f32 v28, v23;
	v11 =	vld.idx.msk [tilespmem:v24+s22+$0x0], $0xffff;
	[tilespmem:s1+$0x14080] =	vst v14  }
0x1d3: {  	v32 =	vsub.f32 v26, v15;
	v25 =	vadd.f32 v15, v26;
	[tilespmem:s10+$0xFFFFFFC0] =	vst v18;
	v14 =	vld.idx.msk [tilespmem:v17+s22+$0x0], $0xffff  }
.Ltmp2:
0x1d4: {  	v22 =	vadd.f32 v23, v28;
	[tilespmem:s11+$0xFFFFFFC0] =	vst v16;
	v15 =	vld.idx.msk [tilespmem:v20+s23+$0x0], $0xffff;
	(pc) =	sbr.rel @p0 .LBB2_6-.Ltmp2, $4  }
0x1d5: {  	v23 =	vadd.s32 s9, v0;
	s9 =	smov.u32 s20;
	[tilespmem:s10+$0x0] =	vst v13;
	v17 =	vld.idx.msk [tilespmem:v17+s23+$0x0], $0xffff  }
0x1d6: {  	v13 =	vsub.f32 v27, v31;
	v24 =	vadd.f32 v31, v27;
	v19 =	vld.idx.msk [tilespmem:v29+s23+$0x0], $0xffff;
	[tilespmem:s4+$0xFFFFFF90] =	vst v8  }
0x1d7: {  	v18 =	vadd.s32 s29, v1;
	v20 =	vld.idx.msk [tilespmem:v29+s22+$0x0], $0xffff;
	[tilespmem:s11+$0x0] =	vst v30  }
0x1d8: {  	s17 =	sadd.s32 $0x100, s17;
	s19 =	sadd.s32 $0x200, s19;
	v12 =	vadd.f32 v10, v11;
	v16 =	vld.idx.msk [tilespmem:v9+s22+$0x0], $0xffff;
	[tilespmem:s4+$0x20] =	vst v32  }
0x1d9: {  	[tilespmem:s31+$0x20] =	vst v25  }
0x1da: {  	[tilespmem:s10+$0x40] =	vst v21  }
0x1db: {  	[tilespmem:s31+$0xFFFFFF90] =	vst v7  }
0x1dc: {  	v8 =	vadd.s32 s13, v2;
	s1 =	sor.u32 $0x70, s14;
	[tilespmem:s11+$0x40] =	vst v22  }
0x1dd: {  	v10 =	vsub.f32 v11, v10;
	[tilespmem:s1+$0x14080] =	vst v24  }
0x1de: {  	v7 =	vld.idx.msk [tilespmem:v9+s23+$0x0], $0xffff;
	v9 =	vsub.f32 v14, v17;
	[tilespmem:s1+$0x10080] =	vst v13  }
0x1df: {  	v22 =	vadd.f32 v15, v5;
	v24 =	vld.idx.msk [tilespmem:v23+s22+$0x0], $0xffff;
	[tilespmem:s10+$0xFFFFFF90] =	vst v10  }
0x1e0: {  	s3 =	sor.u32 $0x60, s15;
	v5 =	vsub.f32 v5, v15;
	[tilespmem:s5+$0xFFFFFFB0] =	vst v9;
	v9 =	vld.idx.msk [tilespmem:v23+s23+$0x0], $0xffff  }
0x1e1: {  	s30 =	sadd.s32 $0xFFFFFF80, s17;
	v21 =	vsub.f32 v20, v19;
	v19 =	vadd.f32 v19, v20;
	[tilespmem:s3+$0x14080] =	vst v22;
	v20 =	vld.idx.msk [tilespmem:v8+s22+$0x0], $0xffff  }
0x1e2: {  	s2 =	sor.u32 $0x50, s30;
	v13 =	vadd.s32 s8, v0;
	v14 =	vadd.f32 v17, v14;
	[tilespmem:s3+$0x10080] =	vst v5;
	v8 =	vld.idx.msk [tilespmem:v8+s23+$0x0], $0xffff  }
0x1e3: {  	[tilespmem:s2+$0x10080] =	vst v21;
	v21 =	vsub.f32 v16, v7  }
0x1e4: {  	v6 =	vld.idx.msk [tilespmem:v6+s23+$0x0], $0xffff;
	[tilespmem:s0+$0xFFFFFFB0] =	vst v14;
	v7 =	vadd.f32 v7, v16  }
0x1e5: {  	v5 =	vld.idx.msk [tilespmem:v18+s22+$0x0], $0xffff;
	[tilespmem:s10+$0x10] =	vst v21  }
0x1e6: {  	v14 =	vld.idx.msk [tilespmem:v18+s23+$0x0], $0xffff;
	v16 =	vadd.s32 s9, v1;
	v15 =	vsub.f32 v24, v9;
	[tilespmem:s11+$0x10] =	vst v7;
	v7 =	vadd.f32 v9, v24  }
0x1e7: {  	[tilespmem:s2+$0x14080] =	vst v19;
	v9 =	vld.idx.msk [tilespmem:v13+s23+$0x0], $0xffff;
	v18 =	vsub.f32 v20, v8;
	v8 =	vadd.f32 v8, v20  }
0x1e8: {  	s5 =	sor.u32 $0x50, s17;
	[tilespmem:s4+$0x30] =	vst v15;
	v15 =	vld.idx.msk [tilespmem:v13+s22+$0x0], $0xffff;
	v13 =	vadd.s32 s7, v0  }
0x1e9: {  	[tilespmem:s5+$0x14080] =	vst v8;
	v8 =	vsub.f32 v4, v6  }
0x1ea: {  	v17 =	vadd.s32 s12, v1;
	s7 =	sor.u32 $0x60, s16;
	[tilespmem:s31+$0x30] =	vst v7;
	v4 =	vadd.f32 v6, v4  }
0x1eb: {  	v19 =	vld.idx.msk [tilespmem:v16+s22+$0x0], $0xffff;
	v6 =	vsub.f32 v5, v14;
	[tilespmem:s7+$0x10080] =	vst v8  }
0x1ec: {  	v7 =	vadd.s32 s13, v1;
	v5 =	vadd.f32 v14, v5;
	v8 =	vld.idx.msk [tilespmem:v16+s23+$0x0], $0xffff;
	[tilespmem:s7+$0x14080] =	vst v4  }
0x1ed: {  	[tilespmem:s4+$0xFFFFFFA0] =	vst v6;
	v6 =	vld.idx.msk [tilespmem:v13+s22+$0x0], $0xffff  }
0x1ee: {  	v14 =	vadd.s32 s6, v1;
	v4 =	vsub.f32 v15, v9;
	[tilespmem:s31+$0xFFFFFFA0] =	vst v5;
	v5 =	vld.idx.msk [tilespmem:v13+s23+$0x0], $0xffff  }
0x1ef: {  	s8 =	sor.u32 $0x70, s15;
	[tilespmem:s5+$0x10080] =	vst v18;
	v18 =	vld.idx.msk [tilespmem:v17+s22+$0x0], $0xffff  }
0x1f0: {  	v11 =	vadd.s32 s29, v0;
	v9 =	vadd.f32 v9, v15;
	[tilespmem:s8+$0x10080] =	vst v4;
	v4 =	vld.idx.msk [tilespmem:v17+s23+$0x0], $0xffff  }
0x1f1: {  	[tilespmem:s11+$0xFFFFFF90] =	vst v12;
	v13 =	vld.idx.msk [tilespmem:v7+s22+$0x0], $0xffff;
	v10 =	vsub.f32 v19, v8  }
0x1f2: {  	v15 =	vadd.s32 s9, v0;
	v7 =	vld.idx.msk [tilespmem:v7+s23+$0x0], $0xffff;
	[tilespmem:s8+$0x14080] =	vst v9;
	v8 =	vadd.f32 v8, v19  }
0x1f3: {  	v9 =	vld.idx.msk [tilespmem:v14+s22+$0x0], $0xffff;
	v12 =	vadd.f32 v5, v6;
	[tilespmem:s10+$0x20] =	vst v10  }
0x1f4: {  	s9 =	sor.u32 $0x70, s16;
	v5 =	vsub.f32 v6, v5;
	v10 =	vld.idx.msk [tilespmem:v14+s23+$0x0], $0xffff;
	v14 =	vadd.s32 s12, v0;
	[tilespmem:s11+$0x20] =	vst v8  }
0x1f5: {  	v16 =	vld.idx.msk [tilespmem:v11+s22+$0x0], $0xffff;
	v8 =	vadd.f32 v4, v18;
	[tilespmem:s9+$0x14080] =	vst v12  }
0x1f6: {  	v11 =	vld.idx.msk [tilespmem:v11+s23+$0x0], $0xffff;
	s12 =	sor.u32 $0x60, s30;
	v4 =	vsub.f32 v18, v4;
	v12 =	vadd.s32 s13, v0;
	[tilespmem:s9+$0x10080] =	vst v5  }
0x1f7: {  	v17 =	vld.idx.msk [tilespmem:v15+s22+$0x0], $0xffff;
	[tilespmem:s12+$0x14080] =	vst v8;
	v8 =	vsub.f32 v13, v7  }
0x1f8: {  	s13 =	sor.u32 $0x60, s17;
	v15 =	vld.idx.msk [tilespmem:v15+s23+$0x0], $0xffff;
	[tilespmem:s12+$0x10080] =	vst v4;
	v4 =	vadd.f32 v7, v13;
	v7 =	vadd.s32 s6, v0  }
0x1f9: {  	v13 =	vsub.f32 v9, v10;
	v18 =	vld.idx.msk [tilespmem:v14+s22+$0x0], $0xffff;
	[tilespmem:s13+$0x10080] =	vst v8  }
0x1fa: {  	v8 =	vadd.f32 v10, v9;
	v9 =	vld.idx.msk [tilespmem:v14+s23+$0x0], $0xffff;
	[tilespmem:s13+$0x14080] =	vst v4  }
0x1fb: {  	v4 =	vsub.f32 v16, v11;
	v10 =	vld.idx.msk [tilespmem:v12+s22+$0x0], $0xffff;
	[tilespmem:s10+$0xFFFFFFA0] =	vst v13  }
0x1fc: {  	v6 =	vld.idx.msk [tilespmem:v12+s23+$0x0], $0xffff;
	[tilespmem:s11+$0xFFFFFFA0] =	vst v8;
	v8 =	vadd.f32 v11, v16  }
0x1fd: {  	[tilespmem:s4+$0xFFFFFFB0] =	vst v4;
	v11 =	vsub.f32 v17, v15;
	v4 =	vld.idx.msk [tilespmem:v7+s22+$0x0], $0xffff  }
0x1fe: {  	v5 =	vld.idx.msk [tilespmem:v7+s23+$0x0], $0xffff;
	v7 =	vadd.f32 v15, v17;
	[tilespmem:s31+$0xFFFFFFB0] =	vst v8  }
0x1ff: {  	[tilespmem:s10+$0x30] =	vst v11;
	v8 =	vsub.f32 v18, v9  }
0x200: {  	s14 =	sor.u32 $0x70, s30;
	[tilespmem:s11+$0x30] =	vst v7;
	v7 =	vadd.f32 v9, v18  }
0x201: {  	[tilespmem:s14+$0x10080] =	vst v8;
	v8 =	vadd.f32 v6, v10  }
0x202: {  	s15 =	sor.u32 $0x70, s17;
	v6 =	vsub.f32 v10, v6;
	[tilespmem:s14+$0x14080] =	vst v7  }
0x203: {  	v7 =	vsub.f32 v4, v5;
	[tilespmem:s15+$0x14080] =	vst v8  }
0x204: {  	v4 =	vadd.f32 v5, v4;
	[tilespmem:s15+$0x10080] =	vst v6  }
0x205: {  	[tilespmem:s10+$0xFFFFFFB0] =	vst v7  }
0x206: {  	[tilespmem:s11+$0xFFFFFFB0] =	vst v4  }
0x207: {  	s16 =	simm.s32 $0x10080;
	s11 =	simm.s32 $0x0;
	s0 =	rddreg [dreg:$0x11]  }
0x208: {  	[hbm4b:s0+s11] =	stream.linear.scatter [tilespmem:s16], [sflag:$0x3], $0x2000, $0x38;
	[tilespmem:$0x18080] =	vst v63  }
0x209: {  	s18 =	simm.s32 $0x14080;
	s19 =	simm.s32 $0x2;
	s17 =	rddreg [dreg:$0x12]  }
0x20a: {  	[hbm4b:s17+s11] =	stream.linear.scatter [tilespmem:s18], [sflag:$0x3], $0x2000, $0x38;
	[tilespmem:$0x18080] =	vst v63  }
0x20b: {  	_ =	swait.ge [sflag:s19], $0x4000  }
0x20c: {  	[sflag:s19] =	ssyncset.done $0x0  }
0x20d: {  	[sflag:s19] =	ssyncadd.s32 $0xFFFFC000  }
0x20e: {  	_ =	swait.ge [sflag:s19], $0x4000  }
0x20f: {  	[sflag:s19] =	ssyncset.done $0x0  }
0x210: {  	s20 =	simm.s32 $0x4;
	[sflag:s19] =	ssyncadd.s32 $0xFFFFC000  }
0x211: {  	_ =	swait.ge [sflag:s20], $0x2000  }
0x212: {  	v4 =	vadd.s32 s11, v3;
	[sflag:s20] =	ssyncset.done $0x0  }
0x213: {  	s21 =	simm.s32 $0x80;
	[sflag:s20] =	ssyncadd.s32 $0xFFFFE000  }
0x214: {  	v5 =	vadd.s32 s21, v3;
	_ =	swait.ge [sflag:s20], $0x2000  }
0x215: {  	s26 =	simm.s32 $0x100;
	[sflag:s20] =	ssyncset.done $0x0  }
0x216: {  	v6 =	vadd.s32 s26, v3;
	[sflag:s20] =	ssyncadd.s32 $0xFFFFE000  }
0x217: {  	s30 =	simm.s32 $0x180;
	v7 =	vld.idx.msk [tilespmem:v4+s25+$0x0], $0xffff  }
0x218: {  	v8 =	vadd.s32 s30, v3;
	v4 =	vld.idx.msk [tilespmem:v4+s24+$0x0], $0xffff  }
0x219: {  	v9 =	vld.idx.msk [tilespmem:v5+s24+$0x0], $0xffff  }
0x21a: {  	v5 =	vld.idx.msk [tilespmem:v5+s25+$0x0], $0xffff  }
0x21b: {  	v10 =	vld.idx.msk [tilespmem:v6+s24+$0x0], $0xffff  }
0x21c: {  	v11 =	vadd.s32 s11, v2;
	v6 =	vld.idx.msk [tilespmem:v6+s25+$0x0], $0xffff  }
0x21d: {  	v13 =	vld.idx.msk [tilespmem:v8+s25+$0x0], $0xffff;
	v12 =	vsub.f32 v4, v7  }
0x21e: {  	s6 =	simm.s32 $0x12100;
	v8 =	vld.idx.msk [tilespmem:v8+s24+$0x0], $0xffff;
	v4 =	vadd.f32 v7, v4;
	v7 =	vadd.s32 s21, v2  }
0x21f: {  	s0 =	simm.s32 $0x16100;
	[tilespmem:s6+$0xFFFFFF80] =	vst v12;
	v12 =	vsub.f32 v9, v5  }
0x220: {  	v14 =	vadd.s32 s26, v2;
	v5 =	vadd.f32 v5, v9;
	[tilespmem:s0+$0xFFFFFF80] =	vst v4  }
0x221: {  	v9 =	vsub.f32 v10, v6;
	v4 =	vld.idx.msk [tilespmem:v11+s25+$0x0], $0xffff;
	[tilespmem:s6+$0xFFFFFFC0] =	vst v12  }
0x222: {  	v6 =	vadd.f32 v6, v10;
	v10 =	vld.idx.msk [tilespmem:v11+s24+$0x0], $0xffff;
	v11 =	vadd.s32 s30, v2;
	[tilespmem:s0+$0xFFFFFFC0] =	vst v5  }
0x223: {  	s31 =	simm.s32 $0x200;
	[tilespmem:s6+$0x0] =	vst v9;
	v12 =	vsub.f32 v8, v13;
	v9 =	vld.idx.msk [tilespmem:v7+s25+$0x0], $0xffff  }
0x224: {  	v5 =	vadd.s32 s31, v3;
	[tilespmem:s0+$0x0] =	vst v6;
	v6 =	vadd.f32 v13, v8;
	v7 =	vld.idx.msk [tilespmem:v7+s24+$0x0], $0xffff  }
0x225: {  	s17 =	simm.s32 $0x300;
	v8 =	vld.idx.msk [tilespmem:v14+s24+$0x0], $0xffff;
	[tilespmem:s6+$0x40] =	vst v12  }
0x226: {  	v13 =	vadd.s32 s17, v3;
	v14 =	vld.idx.msk [tilespmem:v14+s25+$0x0], $0xffff;
	[tilespmem:s0+$0x40] =	vst v6  }
0x227: {  	s8 =	simm.s32 $0x280;
	v15 =	vld.idx.msk [tilespmem:v11+s24+$0x0], $0xffff  }
0x228: {  	v17 =	vadd.s32 s8, v3;
	v11 =	vld.idx.msk [tilespmem:v11+s25+$0x0], $0xffff  }
0x229: {  	v12 =	vadd.s32 s21, v1;
	v6 =	vld.idx.msk [tilespmem:v5+s25+$0x0], $0xffff  }
0x22a: {  	s5 =	simm.s32 $0x380;
	s18 =	simm.s32 $0x40;
	v5 =	vld.idx.msk [tilespmem:v5+s24+$0x0], $0xffff;
	v16 =	vsub.f32 v7, v9  }
0x22b: {  	v18 =	vadd.s32 s5, v3;
	s15 =	sor.u32 $0x50, s18;
	v7 =	vadd.f32 v9, v7;
	v9 =	vld.idx.msk [tilespmem:v13+s24+$0x0], $0xffff  }
0x22c: {  	v13 =	vld.idx.msk [tilespmem:v13+s25+$0x0], $0xffff;
	v19 =	vsub.f32 v8, v14;
	[tilespmem:s15+$0x12080] =	vst v16  }
0x22d: {  	v16 =	vadd.s32 s26, v1;
	[tilespmem:s15+$0x16080] =	vst v7;
	v7 =	vadd.f32 v14, v8;
	v14 =	vld.idx.msk [tilespmem:v17+s24+$0x0], $0xffff  }
0x22e: {  	[tilespmem:s6+$0x10] =	vst v19;
	s15 =	simm.s32 $0xC0;
	v8 =	vld.idx.msk [tilespmem:v12+s24+$0x0], $0xffff;
	v19 =	vsub.f32 v15, v11  }
0x22f: {  	v11 =	vadd.f32 v11, v15;
	s16 =	sor.u32 $0x50, s15;
	v15 =	vadd.s32 s31, v2;
	[tilespmem:s0+$0x10] =	vst v7;
	v7 =	vld.idx.msk [tilespmem:v17+s25+$0x0], $0xffff  }
0x230: {  	v21 =	vsub.f32 v5, v6;
	[tilespmem:s16+$0x12080] =	vst v19;
	v19 =	vld.idx.msk [tilespmem:v18+s25+$0x0], $0xffff  }
0x231: {  	s4 =	simm.s32 $0x12200;
	v17 =	vadd.s32 s30, v1;
	v5 =	vadd.f32 v6, v5;
	[tilespmem:s16+$0x16080] =	vst v11;
	v11 =	vld.idx.msk [tilespmem:v18+s24+$0x0], $0xffff  }
0x232: {  	s29 =	simm.s32 $0x16200;
	[tilespmem:s4+$0xFFFFFF80] =	vst v21;
	v20 =	vld.idx.msk [tilespmem:v16+s24+$0x0], $0xffff  }
0x233: {  	v6 =	vadd.s32 s8, v2;
	v16 =	vld.idx.msk [tilespmem:v16+s25+$0x0], $0xffff;
	[tilespmem:s29+$0xFFFFFF80] =	vst v5  }
0x234: {  	v22 =	vld.idx.msk [tilespmem:v15+s25+$0x0], $0xffff;
	v21 =	vsub.f32 v14, v7  }
0x235: {  	v5 =	vadd.s32 s17, v2;
	v15 =	vld.idx.msk [tilespmem:v15+s24+$0x0], $0xffff;
	v7 =	vadd.f32 v7, v14  }
0x236: {  	v18 =	vld.idx.msk [tilespmem:v17+s24+$0x0], $0xffff;
	v14 =	vsub.f32 v9, v13;
	[tilespmem:s4+$0xFFFFFFC0] =	vst v21  }
0x237: {  	v9 =	vadd.f32 v13, v9;
	[tilespmem:s29+$0xFFFFFFC0] =	vst v7;
	v7 =	vld.idx.msk [tilespmem:v12+s25+$0x0], $0xffff;
	v12 =	vadd.s32 s26, v0  }
0x238: {  	[tilespmem:s4+$0x0] =	vst v14;
	v13 =	vsub.f32 v20, v16;
	v14 =	vld.idx.msk [tilespmem:v6+s25+$0x0], $0xffff  }
0x239: {  	v16 =	vadd.f32 v16, v20;
	[tilespmem:s29+$0x0] =	vst v9;
	v9 =	vadd.s32 s11, v1;
	v6 =	vld.idx.msk [tilespmem:v6+s24+$0x0], $0xffff  }
0x23a: {  	s7 =	simm.s32 $0x400;
	v20 =	vsub.f32 v10, v4;
	v21 =	vld.idx.msk [tilespmem:v5+s24+$0x0], $0xffff;
	[tilespmem:s6+$0x20] =	vst v13  }
0x23b: {  	v4 =	vadd.f32 v4, v10;
	v10 =	vadd.s32 s7, v3;
	v13 =	vld.idx.msk [tilespmem:v5+s25+$0x0], $0xffff;
	[tilespmem:s0+$0x20] =	vst v16  }
0x23c: {  	[tilespmem:s6+$0xFFFFFF90] =	vst v20;
	v16 =	vld.idx.msk [tilespmem:v12+s24+$0x0], $0xffff  }
0x23d: {  	v5 =	vadd.s32 s5, v2;
	v20 =	vsub.f32 v11, v19;
	[tilespmem:s0+$0xFFFFFF90] =	vst v4;
	v4 =	vld.idx.msk [tilespmem:v12+s25+$0x0], $0xffff  }
0x23e: {  	v11 =	vadd.f32 v19, v11;
	v12 =	vld.idx.msk [tilespmem:v9+s24+$0x0], $0xffff  }
0x23f: {  	s10 =	simm.s32 $0x500;
	[tilespmem:s4+$0x40] =	vst v20;
	v9 =	vld.idx.msk [tilespmem:v9+s25+$0x0], $0xffff  }
0x240: {  	v19 =	vadd.s32 s10, v3;
	[tilespmem:s29+$0x40] =	vst v11;
	v11 =	vld.idx.msk [tilespmem:v10+s25+$0x0], $0xffff  }
0x241: {  	v25 =	vadd.f32 v7, v8;
	v10 =	vld.idx.msk [tilespmem:v10+s24+$0x0], $0xffff  }
0x242: {  	v23 =	vadd.s32 s8, v1;
	s20 =	sor.u32 $0x60, s18;
	s16 =	simm.s32 $0x140;
	v20 =	vsub.f32 v6, v14;
	v24 =	vld.idx.msk [tilespmem:v5+s24+$0x0], $0xffff  }
0x243: {  	v27 =	vadd.s32 s21, v0;
	s19 =	sor.u32 $0x50, s16;
	v26 =	vld.idx.msk [tilespmem:v5+s25+$0x0], $0xffff;
	v5 =	vadd.f32 v14, v6;
	[tilespmem:s20+$0x16080] =	vst v25  }
0x244: {  	s13 =	simm.s32 $0x480;
	v14 =	vld.idx.msk [tilespmem:v17+s25+$0x0], $0xffff;
	v6 =	vsub.f32 v8, v7;
	[tilespmem:s19+$0x12080] =	vst v20  }
0x245: {  	v7 =	vadd.s32 s13, v3;
	v8 =	vsub.f32 v21, v13;
	v20 =	vld.idx.msk [tilespmem:v19+s24+$0x0], $0xffff;
	[tilespmem:s19+$0x16080] =	vst v5  }
0x246: {  	v19 =	vld.idx.msk [tilespmem:v19+s25+$0x0], $0xffff;
	[tilespmem:s20+$0x12080] =	vst v6;
	v6 =	vadd.f32 v13, v21  }
0x247: {  	s14 =	simm.s32 $0x580;
	[tilespmem:s4+$0x10] =	vst v8;
	v8 =	vadd.s32 s17, v1;
	v17 =	vsub.f32 v16, v4;
	v5 =	vld.idx.msk [tilespmem:v23+s24+$0x0], $0xffff  }
0x248: {  	v21 =	vadd.s32 s14, v3;
	v13 =	vld.idx.msk [tilespmem:v27+s24+$0x0], $0xffff;
	v4 =	vadd.f32 v4, v16;
	[tilespmem:s29+$0x10] =	vst v6  }
0x249: {  	s9 =	simm.s32 $0x1C0;
	v27 =	vld.idx.msk [tilespmem:v27+s25+$0x0], $0xffff;
	v25 =	vsub.f32 v24, v26;
	[tilespmem:s6+$0x30] =	vst v17  }
0x24a: {  	s21 =	sor.u32 $0x50, s9;
	v17 =	vadd.f32 v26, v24;
	v16 =	vld.idx.msk [tilespmem:v7+s24+$0x0], $0xffff;
	[tilespmem:s0+$0x30] =	vst v4  }
0x24b: {  	v6 =	vadd.s32 s5, v1;
	v24 =	vsub.f32 v12, v9;
	v7 =	vld.idx.msk [tilespmem:v7+s25+$0x0], $0xffff;
	[tilespmem:s21+$0x12080] =	vst v25  }
0x24c: {  	v9 =	vadd.f32 v9, v12;
	[tilespmem:s21+$0x16080] =	vst v17;
	v12 =	vld.idx.msk [tilespmem:v8+s24+$0x0], $0xffff;
	v17 =	vadd.s32 s30, v0  }
0x24d: {  	v4 =	vsub.f32 v18, v14;
	v25 =	vld.idx.msk [tilespmem:v21+s25+$0x0], $0xffff;
	[tilespmem:s6+$0xFFFFFFA0] =	vst v24  }
0x24e: {  	s26 =	sor.u32 $0x60, s15;
	v24 =	vadd.s32 s7, v2;
	v26 =	vld.idx.msk [tilespmem:v21+s24+$0x0], $0xffff;
	[tilespmem:s0+$0xFFFFFFA0] =	vst v9;
	v9 =	vadd.f32 v14, v18  }
0x24f: {  	v14 =	vsub.f32 v10, v11;
	v18 =	vld.idx.msk [tilespmem:v8+s25+$0x0], $0xffff;
	[tilespmem:s26+$0x12080] =	vst v4  }
0x250: {  	s12 =	simm.s32 $0x12300;
	v21 =	vadd.s32 s11, v0;
	v8 =	vadd.f32 v11, v10;
	v4 =	vld.idx.msk [tilespmem:v6+s24+$0x0], $0xffff;
	[tilespmem:s26+$0x16080] =	vst v9  }
0x251: {  	s11 =	simm.s32 $0x16300;
	v9 =	vsub.f32 v13, v27;
	[tilespmem:s12+$0xFFFFFF80] =	vst v14;
	v28 =	vld.idx.msk [tilespmem:v17+s24+$0x0], $0xffff  }
0x252: {  	s30 =	sor.u32 $0x70, s18;
	v13 =	vadd.f32 v27, v13;
	[tilespmem:s11+$0xFFFFFF80] =	vst v8;
	v27 =	vld.idx.msk [tilespmem:v17+s25+$0x0], $0xffff  }
0x253: {  	v29 =	vadd.s32 s13, v2;
	v14 =	vsub.f32 v16, v7;
	v10 =	vld.idx.msk [tilespmem:v24+s25+$0x0], $0xffff;
	[tilespmem:s30+$0x12080] =	vst v9  }
0x254: {  	v9 =	vadd.f32 v7, v16;
	v11 =	vld.idx.msk [tilespmem:v24+s24+$0x0], $0xffff;
	[tilespmem:s30+$0x16080] =	vst v13  }
0x255: {  	v8 =	vadd.s32 s10, v2;
	[tilespmem:s12+$0xFFFFFFC0] =	vst v14;
	v14 =	vld.idx.msk [tilespmem:v21+s24+$0x0], $0xffff;
	v7 =	vadd.f32 v22, v15;
	v15 =	vsub.f32 v15, v22  }
0x256: {  	v13 =	vsub.f32 v20, v19;
	v17 =	vld.idx.msk [tilespmem:v23+s25+$0x0], $0xffff;
	[tilespmem:s11+$0xFFFFFFC0] =	vst v9  }
0x257: {  	v22 =	vsub.f32 v26, v25;
	v9 =	vadd.f32 v19, v20;
	v19 =	vld.idx.msk [tilespmem:v21+s25+$0x0], $0xffff;
	[tilespmem:s4+$0xFFFFFF90] =	vst v15;
	v15 =	vadd.s32 s17, v0  }
0x258: {  	v23 =	vadd.f32 v25, v26;
	v30 =	vsub.f32 v12, v18;
	[tilespmem:s12+$0x0] =	vst v13;
	v21 =	vld.idx.msk [tilespmem:v29+s25+$0x0], $0xffff  }
0x259: {  	v20 =	vadd.f32 v18, v12;
	v18 =	vadd.s32 s31, v1;
	v24 =	vld.idx.msk [tilespmem:v29+s24+$0x0], $0xffff;
	[tilespmem:s11+$0x0] =	vst v9;
	v16 =	vsub.f32 v28, v27  }
0x25a: {  	s19 =	simm.s32 $0x600;
	s18 =	simm.s32 $0x8;
	s17 =	simm.s32 $0x2C0;
	[tilespmem:s4+$0x20] =	vst v30;
	v25 =	vadd.f32 v27, v28;
	v12 =	vadd.f32 v10, v11;
	v13 =	vld.idx.msk [tilespmem:v8+s24+$0x0], $0xffff  }
.LBB2_8:
0x25b: {  	v26 =	vadd.s32 s19, v3;
	s20 =	sadd.s32 $0x100, s19;
	s3 =	sadd.s32 $0x180, s19;
	s18 =	sadd.s32 $0x4, s18;
	v9 =	vsub.f32 v11, v10;
	v8 =	vld.idx.msk [tilespmem:v8+s25+$0x0], $0xffff;
	v10 =	vadd.s32 s14, v2;
	[tilespmem:s29+$0x20] =	vst v20  }
0x25c: {  	v11 =	vadd.s32 s20, v3;
	v20 =	vadd.s32 s3, v3;
	p0 =	slt.u32 s18, $0x7C;
	[tilespmem:s12+$0x40] =	vst v22;
	v22 =	vadd.f32 v17, v5;
	v27 =	vld.idx.msk [tilespmem:v15+s24+$0x0], $0xffff  }
0x25d: {  	v28 =	vsub.f32 v14, v19;
	v14 =	vadd.f32 v19, v14;
	[tilespmem:s29+$0xFFFFFF90] =	vst v7;
	v15 =	vld.idx.msk [tilespmem:v15+s25+$0x0], $0xffff;
	v7 =	vmov v12  }
0x25e: {  	s1 =	sor.u32 $0x70, s15;
	s15 =	smov.u32 s9;
	s9 =	smov.u32 s17;
	v17 =	vsub.f32 v5, v17;
	[tilespmem:s11+$0x40] =	vst v23;
	v12 =	vld.idx.msk [tilespmem:v18+s24+$0x0], $0xffff  }
0x25f: {  	s21 =	sadd.s32 $0xFFFFFF80, s17;
	v5 =	vsub.f32 v24, v21;
	v19 =	vadd.f32 v21, v24;
	v18 =	vld.idx.msk [tilespmem:v18+s25+$0x0], $0xffff;
	[tilespmem:s1+$0x16080] =	vst v25  }
0x260: {  	s2 =	sadd.s32 $0x80, s19;
	s26 =	sor.u32 $0x50, s21;
	v24 =	vadd.s32 s13, v1;
	v21 =	vld.idx.msk [tilespmem:v26+s25+$0x0], $0xffff;
	[tilespmem:s6+$0xFFFFFFB0] =	vst v28;
	s6 =	smov.u32 s4  }
0x261: {  	s30 =	sor.u32 $0x60, s16;
	v23 =	vadd.s32 s2, v3;
	s4 =	smov.u32 s12;
	[tilespmem:s26+$0x12080] =	vst v5;
	v5 =	vsub.f32 v13, v8;
	v13 =	vadd.f32 v8, v13;
	v25 =	vld.idx.msk [tilespmem:v10+s24+$0x0], $0xffff  }
0x262: {  	v10 =	vld.idx.msk [tilespmem:v10+s25+$0x0], $0xffff;
	[tilespmem:s30+$0x16080] =	vst v22;
	v22 =	vadd.s32 s8, v0;
	s8 =	smov.u32 s13;
	s13 =	smov.u32 s2  }
0x263: {  	v28 =	vsub.f32 v27, v15;
	v15 =	vadd.f32 v15, v27;
	v27 =	vld.idx.msk [tilespmem:v6+s25+$0x0], $0xffff;
	[tilespmem:s1+$0x12080] =	vst v16  }
0x264: {  	v16 =	vld.idx.msk [tilespmem:v11+s24+$0x0], $0xffff;
	[tilespmem:s26+$0x16080] =	vst v19  }
0x265: {  	v19 =	vsub.f32 v12, v18;
	v12 =	vadd.f32 v18, v12;
	v11 =	vld.idx.msk [tilespmem:v11+s25+$0x0], $0xffff;
	[tilespmem:s12+$0x10] =	vst v5  }
0x266: {  	v5 =	vld.idx.msk [tilespmem:v24+s24+$0x0], $0xffff;
	[tilespmem:s30+$0x12080] =	vst v17  }
0x267: {  	v8 =	vadd.s32 s20, v2;
	v17 =	vadd.s32 s10, v1;
	v18 =	vld.idx.msk [tilespmem:v22+s24+$0x0], $0xffff;
	[tilespmem:s0+$0xFFFFFFB0] =	vst v14;
	s0 =	smov.u32 s29;
	s29 =	smov.u32 s11  }
0x268: {  	v6 =	vsub.f32 v25, v10;
	v10 =	vadd.f32 v10, v25;
	v14 =	vld.idx.msk [tilespmem:v22+s25+$0x0], $0xffff;
	[tilespmem:s6+$0x30] =	vst v28  }
0x269: {  	s1 =	sor.u32 $0x50, s17;
	s12 =	sadd.s32 $0x100, s12;
	v22 =	vld.idx.msk [tilespmem:v26+s24+$0x0], $0xffff;
	[tilespmem:s11+$0x10] =	vst v13  }
0x26a: {  	s11 =	sadd.s32 $0x100, s11;
	v13 =	vld.idx.msk [tilespmem:v23+s24+$0x0], $0xffff;
	[tilespmem:s1+$0x12080] =	vst v6  }
0x26b: {  	v25 =	vadd.s32 s19, v2;
	v6 =	vadd.s32 s14, v1;
	v23 =	vld.idx.msk [tilespmem:v23+s25+$0x0], $0xffff;
	[tilespmem:s1+$0x16080] =	vst v10  }
0x26c: {  	v10 =	vadd.s32 s5, v0;
	s5 =	smov.u32 s14;
	s14 =	smov.u32 s3;
	v26 =	vld.idx.msk [tilespmem:v17+s24+$0x0], $0xffff;
	[tilespmem:s0+$0x30] =	vst v15  }
0x26d: {  	v15 =	vld.idx.msk [tilespmem:v20+s25+$0x0], $0xffff;
	[tilespmem:s6+$0xFFFFFFA0] =	vst v19;
	v19 =	vsub.f32 v4, v27  }
0x26e: {  	s1 =	sor.u32 $0x60, s15;
	v28 =	vld.idx.msk [tilespmem:v20+s24+$0x0], $0xffff;
	[tilespmem:s0+$0xFFFFFFA0] =	vst v12;
	v12 =	vsub.f32 v18, v14;
	v20 =	vadd.f32 v27, v4  }
0x26f: {  	v29 =	vadd.s32 s13, v2;
	v27 =	vsub.f32 v22, v21;
	v21 =	vadd.f32 v21, v22;
	v17 =	vld.idx.msk [tilespmem:v17+s25+$0x0], $0xffff;
	[tilespmem:s1+$0x12080] =	vst v19  }
0x270: {  	v30 =	vadd.f32 v11, v16;
	v14 =	vadd.f32 v14, v18;
	v19 =	vadd.s32 s31, v0;
	s31 =	smov.u32 s7;
	s7 =	smov.u32 s19;
	v4 =	vld.idx.msk [tilespmem:v6+s24+$0x0], $0xffff;
	[tilespmem:s1+$0x16080] =	vst v20  }
0x271: {  	v18 =	vsub.f32 v13, v23;
	v13 =	vadd.f32 v23, v13;
	[tilespmem:s12+$0xFFFFFF80] =	vst v27;
	v27 =	vld.idx.msk [tilespmem:v10+s24+$0x0], $0xffff  }
0x272: {  	s1 =	sor.u32 $0x70, s16;
	s16 =	smov.u32 s21;
	[tilespmem:s11+$0xFFFFFF80] =	vst v21;
	v31 =	vld.idx.msk [tilespmem:v10+s25+$0x0], $0xffff  }
0x273: {  	v16 =	vsub.f32 v16, v11;
	v10 =	vld.idx.msk [tilespmem:v25+s25+$0x0], $0xffff;
	[tilespmem:s1+$0x12080] =	vst v12  }
0x274: {  	v22 =	vsub.f32 v28, v15;
	v11 =	vld.idx.msk [tilespmem:v25+s24+$0x0], $0xffff;
	[tilespmem:s1+$0x16080] =	vst v14  }
0x275: {  	v32 =	vsub.f32 v26, v17;
	v20 =	vadd.f32 v17, v26;
	[tilespmem:s12+$0xFFFFFFC0] =	vst v18;
	v14 =	vld.idx.msk [tilespmem:v19+s24+$0x0], $0xffff  }
.Ltmp3:
0x276: {  	v23 =	vadd.f32 v15, v28;
	[tilespmem:s11+$0xFFFFFFC0] =	vst v13;
	v17 =	vld.idx.msk [tilespmem:v24+s25+$0x0], $0xffff;
	(pc) =	sbr.rel @p0 .LBB2_8-.Ltmp3, $4  }
0x277: {  	v15 =	vadd.s32 s10, v0;
	s10 =	smov.u32 s20;
	[tilespmem:s12+$0x0] =	vst v16;
	v19 =	vld.idx.msk [tilespmem:v19+s25+$0x0], $0xffff  }
0x278: {  	v16 =	vsub.f32 v27, v31;
	v25 =	vadd.f32 v31, v27;
	v21 =	vld.idx.msk [tilespmem:v29+s25+$0x0], $0xffff;
	[tilespmem:s4+$0xFFFFFF90] =	vst v9  }
0x279: {  	v18 =	vadd.s32 s31, v1;
	v24 =	vld.idx.msk [tilespmem:v29+s24+$0x0], $0xffff;
	[tilespmem:s11+$0x0] =	vst v30  }
0x27a: {  	s17 =	sadd.s32 $0x100, s17;
	s19 =	sadd.s32 $0x200, s19;
	v12 =	vadd.f32 v10, v11;
	v13 =	vld.idx.msk [tilespmem:v8+s24+$0x0], $0xffff;
	[tilespmem:s4+$0x20] =	vst v32  }
0x27b: {  	[tilespmem:s12+$0x40] =	vst v22  }
0x27c: {  	[tilespmem:s29+$0x20] =	vst v20  }
0x27d: {  	[tilespmem:s29+$0xFFFFFF90] =	vst v7  }
0x27e: {  	s1 =	sor.u32 $0x70, s15;
	[tilespmem:s11+$0x40] =	vst v23  }
0x27f: {  	v48 =	vadd.f32 v17, v5;
	[tilespmem:s1+$0x16080] =	vst v25  }
0x280: {  	v49 =	vsub.f32 v5, v17;
	s30 =	sor.u32 $0x60, s16;
	[tilespmem:s1+$0x12080] =	vst v16  }
0x281: {  	v50 =	vld.idx.msk [tilespmem:v6+s25+$0x0], $0xffff;
	v28 =	vsub.f32 v11, v10;
	[tilespmem:s30+$0x16080] =	vst v48  }
0x282: {  	v2 =	vadd.s32 s14, v2;
	v51 =	vld.idx.msk [tilespmem:v8+s25+$0x0], $0xffff;
	v3 =	vsub.f32 v14, v19;
	[tilespmem:s30+$0x12080] =	vst v49  }
0x283: {  	v57 =	vld.idx.msk [tilespmem:v18+s24+$0x0], $0xffff;
	[tilespmem:s12+$0xFFFFFF90] =	vst v28  }
0x284: {  	v47 =	vadd.s32 s8, v0;
	v52 =	vadd.f32 v19, v14;
	v59 =	vld.idx.msk [tilespmem:v18+s25+$0x0], $0xffff;
	[tilespmem:s6+$0xFFFFFFB0] =	vst v3  }
0x285: {  	s21 =	sadd.s32 $0xFFFFFF80, s17;
	v62 =	vld.idx.msk [tilespmem:v15+s24+$0x0], $0xffff;
	v45 =	vsub.f32 v24, v21;
	[tilespmem:s11+$0xFFFFFF90] =	vst v12  }
0x286: {  	v27 =	vadd.s32 s7, v1;
	s26 =	sor.u32 $0x50, s21;
	v18 =	vld.idx.msk [tilespmem:v15+s25+$0x0], $0xffff;
	v9 =	vadd.f32 v21, v24;
	[tilespmem:s0+$0xFFFFFFB0] =	vst v52  }
0x287: {  	v46 =	vld.idx.msk [tilespmem:v2+s24+$0x0], $0xffff;
	[tilespmem:s26+$0x12080] =	vst v45;
	v58 =	vsub.f32 v4, v50  }
0x288: {  	v55 =	vadd.s32 s13, v1;
	s3 =	sor.u32 $0x60, s9;
	v2 =	vld.idx.msk [tilespmem:v2+s25+$0x0], $0xffff;
	[tilespmem:s26+$0x16080] =	vst v9;
	v61 =	vadd.f32 v50, v4  }
0x289: {  	v53 =	vld.idx.msk [tilespmem:v47+s24+$0x0], $0xffff;
	v63 =	vsub.f32 v13, v51;
	[tilespmem:s3+$0x12080] =	vst v58  }
0x28a: {  	v56 =	vld.idx.msk [tilespmem:v47+s25+$0x0], $0xffff;
	v3 =	vadd.f32 v51, v13;
	[tilespmem:s3+$0x16080] =	vst v61  }
0x28b: {  	v60 =	vadd.s32 s10, v1;
	v37 =	vld.idx.msk [tilespmem:v27+s24+$0x0], $0xffff;
	v25 =	vsub.f32 v57, v59;
	[tilespmem:s12+$0x10] =	vst v63  }
0x28c: {  	v22 =	vadd.s32 s5, v0;
	v19 =	vadd.s32 s14, v1;
	v1 =	vld.idx.msk [tilespmem:v27+s25+$0x0], $0xffff;
	v47 =	vsub.f32 v62, v18;
	[tilespmem:s11+$0x10] =	vst v3  }
0x28d: {  	v20 =	vld.idx.msk [tilespmem:v55+s24+$0x0], $0xffff;
	v32 =	vadd.f32 v59, v57;
	[tilespmem:s4+$0xFFFFFFA0] =	vst v25  }
0x28e: {  	v24 =	vld.idx.msk [tilespmem:v55+s25+$0x0], $0xffff;
	[tilespmem:s4+$0x30] =	vst v47;
	v54 =	vsub.f32 v46, v2  }
0x28f: {  	s2 =	sor.u32 $0x50, s17;
	[tilespmem:s29+$0xFFFFFFA0] =	vst v32;
	v2 =	vadd.f32 v2, v46  }
0x290: {  	v21 =	vsub.f32 v53, v56;
	[tilespmem:s2+$0x12080] =	vst v54  }
0x291: {  	s8 =	sor.u32 $0x70, s16;
	v34 =	vld.idx.msk [tilespmem:v22+s24+$0x0], $0xffff;
	v23 =	vadd.f32 v56, v53;
	[tilespmem:s2+$0x16080] =	vst v2  }
0x292: {  	v30 =	vadd.s32 s31, v0;
	v44 =	vld.idx.msk [tilespmem:v22+s25+$0x0], $0xffff;
	v50 =	vsub.f32 v37, v1;
	[tilespmem:s8+$0x12080] =	vst v21  }
0x293: {  	v26 =	vld.idx.msk [tilespmem:v60+s24+$0x0], $0xffff;
	v35 =	vadd.f32 v24, v20;
	[tilespmem:s8+$0x16080] =	vst v23  }
0x294: {  	v36 =	vadd.s32 s10, v0;
	v39 =	vadd.s32 s13, v0;
	s10 =	sor.u32 $0x60, s21;
	v29 =	vld.idx.msk [tilespmem:v60+s25+$0x0], $0xffff;
	v5 =	vsub.f32 v20, v24;
	[tilespmem:s12+$0xFFFFFFA0] =	vst v50  }
0x295: {  	v1 =	vadd.f32 v1, v37;
	v31 =	vld.idx.msk [tilespmem:v19+s24+$0x0], $0xffff;
	[tilespmem:s10+$0x16080] =	vst v35  }
0x296: {  	v46 =	vadd.s32 s7, v0;
	v2 =	vadd.f32 v18, v62;
	v33 =	vld.idx.msk [tilespmem:v19+s25+$0x0], $0xffff;
	[tilespmem:s10+$0x12080] =	vst v5  }
0x297: {  	v41 =	vld.idx.msk [tilespmem:v30+s24+$0x0], $0xffff;
	v54 =	vadd.f32 v44, v34;
	[tilespmem:s11+$0xFFFFFFA0] =	vst v1  }
0x298: {  	s16 =	sor.u32 $0x70, s9;
	v42 =	vld.idx.msk [tilespmem:v30+s25+$0x0], $0xffff;
	v8 =	vsub.f32 v34, v44;
	[tilespmem:s29+$0x30] =	vst v2  }
0x299: {  	v38 =	vsub.f32 v26, v29;
	v51 =	vld.idx.msk [tilespmem:v39+s24+$0x0], $0xffff;
	[tilespmem:s16+$0x16080] =	vst v54  }
0x29a: {  	v45 =	vadd.s32 s14, v0;
	v40 =	vadd.f32 v29, v26;
	v53 =	vld.idx.msk [tilespmem:v39+s25+$0x0], $0xffff;
	[tilespmem:s16+$0x12080] =	vst v8  }
0x29b: {  	v56 =	vld.idx.msk [tilespmem:v46+s24+$0x0], $0xffff;
	[tilespmem:s12+$0x20] =	vst v38;
	v43 =	vsub.f32 v31, v33  }
0x29c: {  	s15 =	sor.u32 $0x60, s17;
	v0 =	vld.idx.msk [tilespmem:v46+s25+$0x0], $0xffff;
	[tilespmem:s11+$0x20] =	vst v40;
	v3 =	vadd.f32 v33, v31  }
0x29d: {  	v52 =	vsub.f32 v41, v42;
	v48 =	vld.idx.msk [tilespmem:v36+s24+$0x0], $0xffff;
	[tilespmem:s15+$0x12080] =	vst v43  }
0x29e: {  	v57 =	vadd.f32 v42, v41;
	v49 =	vld.idx.msk [tilespmem:v36+s25+$0x0], $0xffff;
	[tilespmem:s15+$0x16080] =	vst v3  }
0x29f: {  	[tilespmem:s4+$0xFFFFFFB0] =	vst v52;
	v58 =	vsub.f32 v51, v53;
	v55 =	vld.idx.msk [tilespmem:v45+s24+$0x0], $0xffff  }
0x2a0: {  	s18 =	sor.u32 $0x70, s21;
	[tilespmem:s29+$0xFFFFFFB0] =	vst v57;
	v59 =	vadd.f32 v53, v51;
	v5 =	vld.idx.msk [tilespmem:v45+s25+$0x0], $0xffff  }
0x2a1: {  	v61 =	vsub.f32 v56, v0;
	[tilespmem:s18+$0x12080] =	vst v58  }
0x2a2: {  	v0 =	vadd.f32 v0, v56;
	[tilespmem:s18+$0x16080] =	vst v59  }
0x2a3: {  	[tilespmem:s12+$0xFFFFFFB0] =	vst v61;
	v60 =	vsub.f32 v48, v49  }
0x2a4: {  	v63 =	vadd.f32 v49, v48;
	[tilespmem:s11+$0xFFFFFFB0] =	vst v0  }
0x2a5: {  	[tilespmem:s12+$0x30] =	vst v60;
	v62 =	vadd.f32 v5, v55  }
0x2a6: {  	s19 =	sor.u32 $0x70, s17;
	v1 =	vsub.f32 v55, v5;
	[tilespmem:s11+$0x30] =	vst v63  }
0x2a7: {  	[tilespmem:s19+$0x16080] =	vst v62  }
0x2a8: {  	[tilespmem:s19+$0x12080] =	vst v1  }
0x2a9: {  	s20 =	simm.s32 $0x12080;
	s19 =	simm.s32 $0x0;
	s0 =	rddreg [dreg:$0x13]  }
0x2aa: {  	[hbm4b:s0+s19] =	stream.linear.scatter [tilespmem:s20], [sflag:$0x4], $0x2000, $0x38;
	[tilespmem:$0x18080] =	vst v63  }
0x2ab: {  	s26 =	simm.s32 $0x16080;
	s29 =	simm.s32 $0x3;
	s21 =	rddreg [dreg:$0x14]  }
0x2ac: {  	[hbm4b:s21+s19] =	stream.linear.scatter [tilespmem:s26], [sflag:$0x4], $0x2000, $0x38;
	[tilespmem:$0x18080] =	vst v63  }
0x2ad: {  	_ =	swait.ge [sflag:s29], $0x2000  }
0x2ae: {  	[sflag:s29] =	ssyncset.done $0x0  }
0x2af: {  	[sflag:s29] =	ssyncadd.s32 $0xFFFFE000  }
0x2b0: {  	_ =	swait.ge [sflag:s29], $0x2000  }
0x2b1: {  	[sflag:s29] =	ssyncset.done $0x0  }
0x2b2: {  	s30 =	simm.s32 $0x4;
	[sflag:s29] =	ssyncadd.s32 $0xFFFFE000  }
0x2b3: {  	_ =	swait.ge [sflag:s30], $0x2000  }
0x2b4: {  	[sflag:s30] =	ssyncset.done $0x0  }
0x2b5: {  	[sflag:s30] =	ssyncadd.s32 $0xFFFFE000  }
0x2b6: {  	_ =	swait.ge [sflag:s30], $0x2000  }
0x2b7: {  	s28 =	sadd.s32 $0x1, s28;
	s31 =	rddreg [dreg:$0x15]  }
0x2b8: {  	p0 =	sne.s32 s28, s31  }
.Ltmp4:
0x2b9: {  	_ = 	snop;
	(pc) =	sbr.rel @p0 .LBB2_1-.Ltmp4, $3  }
0x2ba: {  	_ =	sdelay $0x1  }
0x2bb: {  	[sflag:s30] =	ssyncset.done $0x0  }
0x2bc: {  	[sflag:s30] =	ssyncadd.s32 $0xFFFFE000  }
0x2bd: {  	_ =	sfence.sel $0x180000  }
0x2be: {  	[bflag:$0x0] =	sbarrier.arrive $0xFFFF  }
0x2bf: {  	_ =	strace $0x90000047  }
0x2c0: {  	s0 =	stileid.u32;
	[bflag:$0x2] =	sbarrier.arrive $0xFFFF  }
0x2c1: {  	p0 =	sne.s32 s0, $0x0;
	s0 =	rddreg [dreg:$0x4]  }
0x2c2: {  	s0 =	sadd.s32 @!p0 $0x100000, s0  }
0x2c3: {  	[sflag:s0] =	ssyncadd.tile.s32 @!p0 $0x1;
	_ =	shalt  }
.Lfunc_end2:
_tile_overlayer_lowered:
.L_overlay_start_2:
0x2c4: {  	(tag) =	ssettag $0x2  }
0x2c5: {  	s0 =	rddreg [dreg:$0x0];
	s2 =	stileid.u32  }
0x2c6: {  	s1 =	rddreg [dreg:$0x1];
	p0 =	sne.s32 s2, $0x0  }
0x2c7: {  	s3 =	rddreg [dreg:$0x2];
	[bflag:$0x3] =	sbarrier.arrive $0xFFFF;
	s2 =	simm.s32 @!p0 $0x1C05  }
0x2c8: {  	[timem:s3], [sflag:s2] =	dma.local @!p0 [hbm:s0], s1  }
0x2c9: {  	s0 =	simm.s32 @!p0 $0x5  }
0x2ca: {  	_ =	swait.ge @!p0 [sflag:s0], s1  }
0x2cb: {  	s1 =	ssub.s32 @!p0 $0x0, s1;
	[sflag:s0] =	ssyncset.done @!p0 $0x0  }
0x2cc: {  	[sflag:s0] =	ssyncadd.s32 @!p0 s1  }
0x2cd: {  	[bflag:$0x3] =	sbarrier.arrive $0xFFFF  }
0x2ce: {  	_ =	shalt  }

</sc_bundles>
